<compile_context>
chip_gen: v7x
topology: tpu7x:2x2x1
jax: 0.10.2.dev20260603
libtpu: 0.0.44.dev20260713+nightly
codegen_flags: <defaults>
</compile_context>

<pallas_src>
import functools

import jax
import jax.numpy as jnp
from jax import lax
from jax.experimental import pallas as pl
from jax.experimental.pallas import tpu as pltpu
from jax.experimental.pallas import tpu_sc as plsc

_N = 100000
_E = 6400000
_ND = 4
_ED = 3
_D = 8
_NC = 2
_NS = 16
_NW = _NC * _NS
_EPW = _E // _NW
_C = 2000
_NCHUNK = _EPW // _C
_NPAD = 100096
_NPT = _NPAD // _NS


@functools.partial(
    pl.kernel,
    out_type=jax.ShapeDtypeStruct((_NC, _NPAD, _D), jnp.float32),
    mesh=plsc.VectorSubcoreMesh(core_axis_name="c", subcore_axis_name="s"),
    compiler_params=pltpu.CompilerParams(needs_layout_passes=False,
                                         use_tc_tiling_on_sc=False),
    scratch_types=[
        pltpu.VMEM_SHARED((_NPAD, _D), jnp.float32),
        pltpu.VMEM((4, 16), jnp.float32),
        pltpu.VMEM((_C,), jnp.float32),
        pltpu.VMEM((_C,), jnp.float32),
        pltpu.VMEM((_C,), jnp.float32),
        pltpu.VMEM((_C,), jnp.int32),
        pltpu.VMEM((_C,), jnp.int32),
        pltpu.VMEM((_C, _D), jnp.float32),
        pltpu.VMEM((_C, _D), jnp.float32),
        pltpu.SemaphoreType.DMA,
        pltpu.SemaphoreType.DMA,
    ],
)
def _edge_sc(node_hbm, x0_hbm, x1_hbm, x2_hbm, src_hbm, dst_hbm, wb_hbm,
             zero_hbm, out_hbm, acc_sh, wb_s, x0_v, x1_v, x2_v,
             sidx_v, didx_v, orig_v, t_v, sem, lsem):
    c = lax.axis_index("c")
    s = lax.axis_index("s")
    wid = s * _NC + c

    pltpu.sync_copy(wb_hbm, wb_s)
    pltpu.sync_copy(zero_hbm.at[pl.ds(0, _C)], t_v)
    pltpu.sync_copy(zero_hbm.at[pl.ds(s * _NPT, _NPT)],
                    acc_sh.at[pl.ds(s * _NPT, _NPT)])
    plsc.subcore_barrier()

    lanes = lax.iota(jnp.int32, 16)
    cols = [jnp.full((16,), j, jnp.int32) for j in range(_ND)]
    wrow = [wb_s[d] for d in range(_ED + 1)]
    w = [[wrow[d][k] for k in range(16)] for d in range(_ED)]
    bsc = [wrow[_ED][k] for k in range(16)]

    def chunk_body(i, _):
        base = wid * _EPW + i * _C
        d_src = pltpu.async_copy(src_hbm.at[pl.ds(base, _C)], sidx_v, lsem)
        d_dst = pltpu.async_copy(dst_hbm.at[pl.ds(base, _C)], didx_v, lsem)
        d_x0 = pltpu.async_copy(x0_hbm.at[pl.ds(base, _C)], x0_v, lsem)
        d_x1 = pltpu.async_copy(x1_hbm.at[pl.ds(base, _C)], x1_v, lsem)
        d_x2 = pltpu.async_copy(x2_hbm.at[pl.ds(base, _C)], x2_v, lsem)
        d_src.wait()
        d_g = pltpu.async_copy(node_hbm.at[sidx_v], orig_v, sem)
        d_dst.wait()
        d_x0.wait()
        d_x1.wait()
        d_x2.wait()
        d_g.wait()

        def cmp_body(g, _):
            rows = lanes + g * 16
            x = [xv[pl.ds(g * 16, 16)] for xv in (x0_v, x1_v, x2_v)]
            o = [plsc.load_gather(orig_v, [rows, cols[j]])
                 for j in range(_ND)]
            for ii in range(_ND):
                ti = None
                for j in range(_ND):
                    k = 4 * ii + j
                    a = x[0] * w[0][k] + x[1] * w[1][k] + x[2] * w[2][k] \
                        + bsc[k]
                    term = a * o[j]
                    ti = term if ti is None else ti + term
                plsc.store_scatter(t_v, [rows, cols[ii]], ti)
            return 0

        lax.fori_loop(0, _C // 16, cmp_body, 0, unroll=4)

        pltpu.sync_copy(t_v, acc_sh.at[didx_v], add=True)
        return 0

    lax.fori_loop(0, _NCHUNK, chunk_body, 0, unroll=False)

    plsc.subcore_barrier()
    pltpu.sync_copy(acc_sh.at[pl.ds(s * _NPT, _NPT)],
                    out_hbm.at[c, pl.ds(s * _NPT, _NPT)])


def _combine_body(x_ref, o_ref):
    o_ref[...] = x_ref[0] + x_ref[1]


_combine = pl.pallas_call(
    _combine_body,
    out_shape=jax.ShapeDtypeStruct((_NPAD * _D // 128, 128), jnp.float32),
)


def kernel(node_features, edge_features, pair_indices, edge_kernel, bias):
    wb = jnp.concatenate([edge_kernel, bias[None, :]], axis=0)
    pair2 = pair_indices.astype(jnp.int32)
    src = pair2[:, 0]
    dst = pair2[:, 1]
    x0 = edge_features[:, 0]
    x1 = edge_features[:, 1]
    x2 = edge_features[:, 2]
    node_pad = jnp.pad(node_features, ((0, _NPAD - _N), (0, _D - _ND)))
    zeros = jnp.zeros((_NPAD, _D), jnp.float32)
    parts = _edge_sc(node_pad, x0, x1, x2, src, dst, wb, zeros)
    out = _combine(parts.reshape(_NC, _NPAD * _D // 128, 128))
    return out.reshape(_NPAD, _D)[:_N, :_ND]

# --- scband reference (transcript-rebuilt; emitter-appended) ---
"""Pipeline reference for scband-edge-network-11776800325765 (READ-ONLY COPY).

The authoritative reference and input builder live on the scoring server;
editing this copy changes nothing except your own understanding.
"""

import jax, jax.numpy as jnp
import numpy as np

N_NODES = 100000
N_EDGES = 6400000
NODE_DIM = 4
EDGE_DIM = 3


def setup_inputs(seed: int = 0) -> dict:
    key = jax.random.key(seed)
    k1, k2, k3, k4 = jax.random.split(key, 4)
    node_features = jax.random.normal(k1, (N_NODES, NODE_DIM), dtype=jnp.float32)
    edge_features = jax.random.normal(k2, (N_EDGES, EDGE_DIM), dtype=jnp.float32)
    pair_indices = jax.random.randint(k3, (N_EDGES, 2), 0, N_NODES, dtype=jnp.int64 if jax.config.jax_enable_x64 else jnp.int32)
    # learned params per build(): kernel (edge_dim, node_dim*node_dim), bias (node_dim*node_dim,)
    limit = np.sqrt(6.0 / (EDGE_DIM + NODE_DIM * NODE_DIM))
    kernel = jax.random.uniform(k4, (EDGE_DIM, NODE_DIM * NODE_DIM), minval=-limit, maxval=limit, dtype=jnp.float32)
    bias = jnp.zeros((NODE_DIM * NODE_DIM,), dtype=jnp.float32)
    return {
        "node_features": node_features,
        "edge_features": edge_features,
        "pair_indices": pair_indices,
        "kernel": kernel,
        "bias": bias,
    }


def reference(node_features, edge_features, pair_indices, kernel, bias):
    # edge MLP: [E, edge_dim] @ [edge_dim, node_dim^2] + bias
    ef = jnp.matmul(edge_features, kernel) + bias
    ef = ef.reshape(-1, NODE_DIM, NODE_DIM)  # [E, 4, 4]
    # gather source node features
    origin = jnp.take(node_features, pair_indices[:, 0], axis=0)  # [E, 4]
    origin = origin[:, :, None]  # [E, 4, 1]
    transformed = jnp.matmul(ef, origin)  # [E, 4, 1]
    transformed = jnp.squeeze(transformed, axis=-1)  # [E, 4]
    # scatter-add into destination nodes (unsorted_segment_sum)
    aggregated = jax.ops.segment_sum(transformed, pair_indices[:, 1], num_segments=node_features.shape[0])
    return aggregated

if __name__ == "__main__":
    import jax
    _d = setup_inputs()
    print(jax.jit(kernel)(*tuple(_d.values())))

</pallas_src>

<mosaic_0001>
#map = affine_map<(d0, d1) -> (0, 0)>
#map1 = affine_map<(d0, d1) -> (0)>
#map2 = affine_map<(d0, d1) -> (0, 0, 0)>
module attributes {stable_mosaic.version = 14 : i64} {
  func.func @_edge_sc(%arg0: i32, %arg1: i32, %arg2: memref<100096x8xf32, #tpu.memory_space<hbm>>, %arg3: memref<6400000xf32, #tpu.memory_space<hbm>>, %arg4: memref<6400000xf32, #tpu.memory_space<hbm>>, %arg5: memref<6400000xf32, #tpu.memory_space<hbm>>, %arg6: memref<6400000xi32, #tpu.memory_space<hbm>>, %arg7: memref<6400000xi32, #tpu.memory_space<hbm>>, %arg8: memref<4x16xf32, #tpu.memory_space<hbm>>, %arg9: memref<100096x8xf32, #tpu.memory_space<hbm>>, %arg10: memref<2x100096x8xf32, #tpu.memory_space<hbm>>, %arg11: memref<100096x8xf32, #tpu.memory_space<vmem_shared>>, %arg12: memref<4x16xf32, #tpu.memory_space<vmem>>, %arg13: memref<2000xf32, #tpu.memory_space<vmem>>, %arg14: memref<2000xf32, #tpu.memory_space<vmem>>, %arg15: memref<2000xf32, #tpu.memory_space<vmem>>, %arg16: memref<2000xi32, #tpu.memory_space<vmem>>, %arg17: memref<2000xi32, #tpu.memory_space<vmem>>, %arg18: memref<2000x8xf32, #tpu.memory_space<vmem>>, %arg19: memref<2000x8xf32, #tpu.memory_space<vmem>>, %arg20: memref<!tpu.dma_semaphore, #tpu.memory_space<semaphore_mem>>, %arg21: memref<!tpu.dma_semaphore, #tpu.memory_space<semaphore_mem>>) attributes {dimension_semantics = [#tpu.dimension_semantics<core_parallel>, #tpu.dimension_semantics<subcore_parallel>], iteration_bounds = array<i64: 2, 16>, scalar_prefetch = 0 : i64, scratch_operands = 11 : i64, tpu.core_type = #tpu.core_type<sc_vector_subcore>, window_params = [{transform_indices = #map}, {transform_indices = #map1}, {transform_indices = #map1}, {transform_indices = #map1}, {transform_indices = #map1}, {transform_indices = #map1}, {transform_indices = #map}, {transform_indices = #map}, {transform_indices = #map2}]} {
    %mul3A = arith.constant 2 : i32
    %mul3A_0 = arith.muli %arg1, %mul3A : i32
    %add3A = arith.addi %mul3A_0, %arg0 : i32
    "tpu.region"() ({
      %run_scoped3A = tpu.sem_alloc : memref<!tpu.dma_semaphore, #tpu.memory_space<semaphore_mem>>
      tpu.enqueue_dma source(%arg8 : memref<4x16xf32, #tpu.memory_space<hbm>>) target(%arg12 : memref<4x16xf32, #tpu.memory_space<vmem>>) target_semaphore(%run_scoped3A : memref<!tpu.dma_semaphore, #tpu.memory_space<semaphore_mem>>)
      tpu.wait_dma2 semaphore(%run_scoped3A : memref<!tpu.dma_semaphore, #tpu.memory_space<semaphore_mem>>) src(%arg8 : memref<4x16xf32, #tpu.memory_space<hbm>>) dst(%arg12 : memref<4x16xf32, #tpu.memory_space<vmem>>)
      tpu.yield
    }) : () -> ()
    "tpu.region"() ({
      %run_scoped3A = tpu.sem_alloc : memref<!tpu.dma_semaphore, #tpu.memory_space<semaphore_mem>>
      %dma_start3A = arith.constant 0 : i32
      %dma_start3A_164 = arith.constant 0 : i32
      %dma_start3A_165 = tpu.memref_slice %arg9[%dma_start3A, %dma_start3A_164] : memref<100096x8xf32, #tpu.memory_space<hbm>> -> memref<2000x8xf32, #tpu.memory_space<hbm>>
      %dma_start3A_166 = arith.constant 0 : i32
      %dma_start3A_167 = arith.constant 0 : i32
      %dma_start3A_168 = tpu.memref_slice %arg9[%dma_start3A_166, %dma_start3A_167] : memref<100096x8xf32, #tpu.memory_space<hbm>> -> memref<2000x8xf32, #tpu.memory_space<hbm>>
      tpu.enqueue_dma source(%dma_start3A_168 : memref<2000x8xf32, #tpu.memory_space<hbm>>) target(%arg19 : memref<2000x8xf32, #tpu.memory_space<vmem>>) target_semaphore(%run_scoped3A : memref<!tpu.dma_semaphore, #tpu.memory_space<semaphore_mem>>)
      %dma_wait3A = arith.constant 0 : i32
      %dma_wait3A_169 = arith.constant 0 : i32
      %dma_wait3A_170 = tpu.memref_slice %arg9[%dma_wait3A, %dma_wait3A_169] : memref<100096x8xf32, #tpu.memory_space<hbm>> -> memref<2000x8xf32, #tpu.memory_space<hbm>>
      %dma_wait3A_171 = arith.constant 0 : i32
      %dma_wait3A_172 = arith.constant 0 : i32
      %dma_wait3A_173 = tpu.memref_slice %arg9[%dma_wait3A_171, %dma_wait3A_172] : memref<100096x8xf32, #tpu.memory_space<hbm>> -> memref<2000x8xf32, #tpu.memory_space<hbm>>
      tpu.wait_dma2 semaphore(%run_scoped3A : memref<!tpu.dma_semaphore, #tpu.memory_space<semaphore_mem>>) src(%dma_wait3A_173 : memref<2000x8xf32, #tpu.memory_space<hbm>>) dst(%arg19 : memref<2000x8xf32, #tpu.memory_space<vmem>>)
      tpu.yield
    }) : () -> ()
    %mul3A_1 = arith.constant 6256 : i32
    %mul3A_2 = arith.muli %arg1, %mul3A_1 : i32
    %mul3A_3 = arith.constant 6256 : i32
    %mul3A_4 = arith.muli %arg1, %mul3A_3 : i32
    "tpu.region"() ({
      %run_scoped3A = tpu.sem_alloc : memref<!tpu.dma_semaphore, #tpu.memory_space<semaphore_mem>>
      %dma_start3A = arith.constant 0 : i32
      %dma_start3A_164 = tpu.memref_slice %arg11[%mul3A_4, %dma_start3A] : memref<100096x8xf32, #tpu.memory_space<vmem_shared>> -> memref<6256x8xf32, #tpu.memory_space<vmem_shared>>
      %dma_start3A_165 = arith.constant 0 : i32
      %dma_start3A_166 = tpu.memref_slice %arg9[%mul3A_2, %dma_start3A_165] : memref<100096x8xf32, #tpu.memory_space<hbm>> -> memref<6256x8xf32, #tpu.memory_space<hbm>>
      tpu.enqueue_dma source(%dma_start3A_166 : memref<6256x8xf32, #tpu.memory_space<hbm>>) target(%dma_start3A_164 : memref<6256x8xf32, #tpu.memory_space<vmem_shared>>) target_semaphore(%run_scoped3A : memref<!tpu.dma_semaphore, #tpu.memory_space<semaphore_mem>>)
      %dma_wait3A = arith.constant 0 : i32
      %dma_wait3A_167 = tpu.memref_slice %arg11[%mul3A_4, %dma_wait3A] : memref<100096x8xf32, #tpu.memory_space<vmem_shared>> -> memref<6256x8xf32, #tpu.memory_space<vmem_shared>>
      %dma_wait3A_168 = arith.constant 0 : i32
      %dma_wait3A_169 = tpu.memref_slice %arg9[%mul3A_2, %dma_wait3A_168] : memref<100096x8xf32, #tpu.memory_space<hbm>> -> memref<6256x8xf32, #tpu.memory_space<hbm>>
      tpu.wait_dma2 semaphore(%run_scoped3A : memref<!tpu.dma_semaphore, #tpu.memory_space<semaphore_mem>>) src(%dma_wait3A_169 : memref<6256x8xf32, #tpu.memory_space<hbm>>) dst(%dma_wait3A_167 : memref<6256x8xf32, #tpu.memory_space<vmem_shared>>)
      tpu.yield
    }) : () -> ()
    %barrier3A = arith.constant 0 : index
    tpu.barrier barrier_id(%barrier3A)
    %iota3A = tpu.iota {dimensions = array<i32: 0>} : vector<16xi32>
    %broadcast_in_dim3A = arith.constant 0 : i32
    %broadcast_in_dim3A_5 = vector.broadcast %broadcast_in_dim3A : i32 to vector<16xi32>
    %broadcast_in_dim3A_6 = arith.constant 1 : i32
    %broadcast_in_dim3A_7 = vector.broadcast %broadcast_in_dim3A_6 : i32 to vector<16xi32>
    %broadcast_in_dim3A_8 = arith.constant 2 : i32
    %broadcast_in_dim3A_9 = vector.broadcast %broadcast_in_dim3A_8 : i32 to vector<16xi32>
    %broadcast_in_dim3A_10 = arith.constant 3 : i32
    %broadcast_in_dim3A_11 = vector.broadcast %broadcast_in_dim3A_10 : i32 to vector<16xi32>
    %get3A = arith.constant 0 : i32
    %get3A_12 = arith.index_cast %get3A : i32 to index
    %get3A_13 = arith.constant 0 : index
    %get3A_14 = tpu.vector_load %arg12[%get3A_12, %get3A_13] {strides = array<i32>} : memref<4x16xf32, #tpu.memory_space<vmem>>, vector<16xf32>,
    %get3A_15 = arith.constant 1 : i32
    %get3A_16 = arith.index_cast %get3A_15 : i32 to index
    %get3A_17 = arith.constant 0 : index
    %get3A_18 = tpu.vector_load %arg12[%get3A_16, %get3A_17] {strides = array<i32>} : memref<4x16xf32, #tpu.memory_space<vmem>>, vector<16xf32>,
    %get3A_19 = arith.constant 2 : i32
    %get3A_20 = arith.index_cast %get3A_19 : i32 to index
    %get3A_21 = arith.constant 0 : index
    %get3A_22 = tpu.vector_load %arg12[%get3A_20, %get3A_21] {strides = array<i32>} : memref<4x16xf32, #tpu.memory_space<vmem>>, vector<16xf32>,
    %get3A_23 = arith.constant 3 : i32
    %get3A_24 = arith.index_cast %get3A_23 : i32 to index
    %get3A_25 = arith.constant 0 : index
    %get3A_26 = tpu.vector_load %arg12[%get3A_24, %get3A_25] {strides = array<i32>} : memref<4x16xf32, #tpu.memory_space<vmem>>, vector<16xf32>,
    %slice3A = vector.extract_strided_slice %get3A_14 {offsets = [0], sizes = [1], strides = [1]} : vector<16xf32> to vector<1xf32>
    %squeeze3A = vector.extract %slice3A[0] : f32 from vector<1xf32>
    %slice3A_27 = vector.extract_strided_slice %get3A_14 {offsets = [1], sizes = [1], strides = [1]} : vector<16xf32> to vector<1xf32>
    %squeeze3A_28 = vector.extract %slice3A_27[0] : f32 from vector<1xf32>
    %slice3A_29 = vector.extract_strided_slice %get3A_14 {offsets = [2], sizes = [1], strides = [1]} : vector<16xf32> to vector<1xf32>
    %squeeze3A_30 = vector.extract %slice3A_29[0] : f32 from vector<1xf32>
    %slice3A_31 = vector.extract_strided_slice %get3A_14 {offsets = [3], sizes = [1], strides = [1]} : vector<16xf32> to vector<1xf32>
    %squeeze3A_32 = vector.extract %slice3A_31[0] : f32 from vector<1xf32>
    %slice3A_33 = vector.extract_strided_slice %get3A_14 {offsets = [4], sizes = [1], strides = [1]} : vector<16xf32> to vector<1xf32>
    %squeeze3A_34 = vector.extract %slice3A_33[0] : f32 from vector<1xf32>
    %slice3A_35 = vector.extract_strided_slice %get3A_14 {offsets = [5], sizes = [1], strides = [1]} : vector<16xf32> to vector<1xf32>
    %squeeze3A_36 = vector.extract %slice3A_35[0] : f32 from vector<1xf32>
    %slice3A_37 = vector.extract_strided_slice %get3A_14 {offsets = [6], sizes = [1], strides = [1]} : vector<16xf32> to vector<1xf32>
    %squeeze3A_38 = vector.extract %slice3A_37[0] : f32 from vector<1xf32>
    %slice3A_39 = vector.extract_strided_slice %get3A_14 {offsets = [7], sizes = [1], strides = [1]} : vector<16xf32> to vector<1xf32>
    %squeeze3A_40 = vector.extract %slice3A_39[0] : f32 from vector<1xf32>
    %slice3A_41 = vector.extract_strided_slice %get3A_14 {offsets = [8], sizes = [1], strides = [1]} : vector<16xf32> to vector<1xf32>
    %squeeze3A_42 = vector.extract %slice3A_41[0] : f32 from vector<1xf32>
    %slice3A_43 = vector.extract_strided_slice %get3A_14 {offsets = [9], sizes = [1], strides = [1]} : vector<16xf32> to vector<1xf32>
    %squeeze3A_44 = vector.extract %slice3A_43[0] : f32 from vector<1xf32>
    %slice3A_45 = vector.extract_strided_slice %get3A_14 {offsets = [10], sizes = [1], strides = [1]} : vector<16xf32> to vector<1xf32>
    %squeeze3A_46 = vector.extract %slice3A_45[0] : f32 from vector<1xf32>
    %slice3A_47 = vector.extract_strided_slice %get3A_14 {offsets = [11], sizes = [1], strides = [1]} : vector<16xf32> to vector<1xf32>
    %squeeze3A_48 = vector.extract %slice3A_47[0] : f32 from vector<1xf32>
    %slice3A_49 = vector.extract_strided_slice %get3A_14 {offsets = [12], sizes = [1], strides = [1]} : vector<16xf32> to vector<1xf32>
    %squeeze3A_50 = vector.extract %slice3A_49[0] : f32 from vector<1xf32>
    %slice3A_51 = vector.extract_strided_slice %get3A_14 {offsets = [13], sizes = [1], strides = [1]} : vector<16xf32> to vector<1xf32>
    %squeeze3A_52 = vector.extract %slice3A_51[0] : f32 from vector<1xf32>
    %slice3A_53 = vector.extract_strided_slice %get3A_14 {offsets = [14], sizes = [1], strides = [1]} : vector<16xf32> to vector<1xf32>
    %squeeze3A_54 = vector.extract %slice3A_53[0] : f32 from vector<1xf32>
    %slice3A_55 = vector.extract_strided_slice %get3A_14 {offsets = [15], sizes = [1], strides = [1]} : vector<16xf32> to vector<1xf32>
    %squeeze3A_56 = vector.extract %slice3A_55[0] : f32 from vector<1xf32>
    %slice3A_57 = vector.extract_strided_slice %get3A_18 {offsets = [0], sizes = [1], strides = [1]} : vector<16xf32> to vector<1xf32>
    %squeeze3A_58 = vector.extract %slice3A_57[0] : f32 from vector<1xf32>
    %slice3A_59 = vector.extract_strided_slice %get3A_18 {offsets = [1], sizes = [1], strides = [1]} : vector<16xf32> to vector<1xf32>
    %squeeze3A_60 = vector.extract %slice3A_59[0] : f32 from vector<1xf32>
    %slice3A_61 = vector.extract_strided_slice %get3A_18 {offsets = [2], sizes = [1], strides = [1]} : vector<16xf32> to vector<1xf32>
    %squeeze3A_62 = vector.extract %slice3A_61[0] : f32 from vector<1xf32>
    %slice3A_63 = vector.extract_strided_slice %get3A_18 {offsets = [3], sizes = [1], strides = [1]} : vector<16xf32> to vector<1xf32>
    %squeeze3A_64 = vector.extract %slice3A_63[0] : f32 from vector<1xf32>
    %slice3A_65 = vector.extract_strided_slice %get3A_18 {offsets = [4], sizes = [1], strides = [1]} : vector<16xf32> to vector<1xf32>
    %squeeze3A_66 = vector.extract %slice3A_65[0] : f32 from vector<1xf32>
    %slice3A_67 = vector.extract_strided_slice %get3A_18 {offsets = [5], sizes = [1], strides = [1]} : vector<16xf32> to vector<1xf32>
    %squeeze3A_68 = vector.extract %slice3A_67[0] : f32 from vector<1xf32>
    %slice3A_69 = vector.extract_strided_slice %get3A_18 {offsets = [6], sizes = [1], strides = [1]} : vector<16xf32> to vector<1xf32>
    %squeeze3A_70 = vector.extract %slice3A_69[0] : f32 from vector<1xf32>
    %slice3A_71 = vector.extract_strided_slice %get3A_18 {offsets = [7], sizes = [1], strides = [1]} : vector<16xf32> to vector<1xf32>
    %squeeze3A_72 = vector.extract %slice3A_71[0] : f32 from vector<1xf32>
    %slice3A_73 = vector.extract_strided_slice %get3A_18 {offsets = [8], sizes = [1], strides = [1]} : vector<16xf32> to vector<1xf32>
    %squeeze3A_74 = vector.extract %slice3A_73[0] : f32 from vector<1xf32>
    %slice3A_75 = vector.extract_strided_slice %get3A_18 {offsets = [9], sizes = [1], strides = [1]} : vector<16xf32> to vector<1xf32>
    %squeeze3A_76 = vector.extract %slice3A_75[0] : f32 from vector<1xf32>
    %slice3A_77 = vector.extract_strided_slice %get3A_18 {offsets = [10], sizes = [1], strides = [1]} : vector<16xf32> to vector<1xf32>
    %squeeze3A_78 = vector.extract %slice3A_77[0] : f32 from vector<1xf32>
    %slice3A_79 = vector.extract_strided_slice %get3A_18 {offsets = [11], sizes = [1], strides = [1]} : vector<16xf32> to vector<1xf32>
    %squeeze3A_80 = vector.extract %slice3A_79[0] : f32 from vector<1xf32>
    %slice3A_81 = vector.extract_strided_slice %get3A_18 {offsets = [12], sizes = [1], strides = [1]} : vector<16xf32> to vector<1xf32>
    %squeeze3A_82 = vector.extract %slice3A_81[0] : f32 from vector<1xf32>
    %slice3A_83 = vector.extract_strided_slice %get3A_18 {offsets = [13], sizes = [1], strides = [1]} : vector<16xf32> to vector<1xf32>
    %squeeze3A_84 = vector.extract %slice3A_83[0] : f32 from vector<1xf32>
    %slice3A_85 = vector.extract_strided_slice %get3A_18 {offsets = [14], sizes = [1], strides = [1]} : vector<16xf32> to vector<1xf32>
    %squeeze3A_86 = vector.extract %slice3A_85[0] : f32 from vector<1xf32>
    %slice3A_87 = vector.extract_strided_slice %get3A_18 {offsets = [15], sizes = [1], strides = [1]} : vector<16xf32> to vector<1xf32>
    %squeeze3A_88 = vector.extract %slice3A_87[0] : f32 from vector<1xf32>
    %slice3A_89 = vector.extract_strided_slice %get3A_22 {offsets = [0], sizes = [1], strides = [1]} : vector<16xf32> to vector<1xf32>
    %squeeze3A_90 = vector.extract %slice3A_89[0] : f32 from vector<1xf32>
    %slice3A_91 = vector.extract_strided_slice %get3A_22 {offsets = [1], sizes = [1], strides = [1]} : vector<16xf32> to vector<1xf32>
    %squeeze3A_92 = vector.extract %slice3A_91[0] : f32 from vector<1xf32>
    %slice3A_93 = vector.extract_strided_slice %get3A_22 {offsets = [2], sizes = [1], strides = [1]} : vector<16xf32> to vector<1xf32>
    %squeeze3A_94 = vector.extract %slice3A_93[0] : f32 from vector<1xf32>
    %slice3A_95 = vector.extract_strided_slice %get3A_22 {offsets = [3], sizes = [1], strides = [1]} : vector<16xf32> to vector<1xf32>
    %squeeze3A_96 = vector.extract %slice3A_95[0] : f32 from vector<1xf32>
    %slice3A_97 = vector.extract_strided_slice %get3A_22 {offsets = [4], sizes = [1], strides = [1]} : vector<16xf32> to vector<1xf32>
    %squeeze3A_98 = vector.extract %slice3A_97[0] : f32 from vector<1xf32>
    %slice3A_99 = vector.extract_strided_slice %get3A_22 {offsets = [5], sizes = [1], strides = [1]} : vector<16xf32> to vector<1xf32>
    %squeeze3A_100 = vector.extract %slice3A_99[0] : f32 from vector<1xf32>
    %slice3A_101 = vector.extract_strided_slice %get3A_22 {offsets = [6], sizes = [1], strides = [1]} : vector<16xf32> to vector<1xf32>
    %squeeze3A_102 = vector.extract %slice3A_101[0] : f32 from vector<1xf32>
    %slice3A_103 = vector.extract_strided_slice %get3A_22 {offsets = [7], sizes = [1], strides = [1]} : vector<16xf32> to vector<1xf32>
    %squeeze3A_104 = vector.extract %slice3A_103[0] : f32 from vector<1xf32>
    %slice3A_105 = vector.extract_strided_slice %get3A_22 {offsets = [8], sizes = [1], strides = [1]} : vector<16xf32> to vector<1xf32>
    %squeeze3A_106 = vector.extract %slice3A_105[0] : f32 from vector<1xf32>
    %slice3A_107 = vector.extract_strided_slice %get3A_22 {offsets = [9], sizes = [1], strides = [1]} : vector<16xf32> to vector<1xf32>
    %squeeze3A_108 = vector.extract %slice3A_107[0] : f32 from vector<1xf32>
    %slice3A_109 = vector.extract_strided_slice %get3A_22 {offsets = [10], sizes = [1], strides = [1]} : vector<16xf32> to vector<1xf32>
    %squeeze3A_110 = vector.extract %slice3A_109[0] : f32 from vector<1xf32>
    %slice3A_111 = vector.extract_strided_slice %get3A_22 {offsets = [11], sizes = [1], strides = [1]} : vector<16xf32> to vector<1xf32>
    %squeeze3A_112 = vector.extract %slice3A_111[0] : f32 from vector<1xf32>
    %slice3A_113 = vector.extract_strided_slice %get3A_22 {offsets = [12], sizes = [1], strides = [1]} : vector<16xf32> to vector<1xf32>
    %squeeze3A_114 = vector.extract %slice3A_113[0] : f32 from vector<1xf32>
    %slice3A_115 = vector.extract_strided_slice %get3A_22 {offsets = [13], sizes = [1], strides = [1]} : vector<16xf32> to vector<1xf32>
    %squeeze3A_116 = vector.extract %slice3A_115[0] : f32 from vector<1xf32>
    %slice3A_117 = vector.extract_strided_slice %get3A_22 {offsets = [14], sizes = [1], strides = [1]} : vector<16xf32> to vector<1xf32>
    %squeeze3A_118 = vector.extract %slice3A_117[0] : f32 from vector<1xf32>
    %slice3A_119 = vector.extract_strided_slice %get3A_22 {offsets = [15], sizes = [1], strides = [1]} : vector<16xf32> to vector<1xf32>
    %squeeze3A_120 = vector.extract %slice3A_119[0] : f32 from vector<1xf32>
    %slice3A_121 = vector.extract_strided_slice %get3A_26 {offsets = [0], sizes = [1], strides = [1]} : vector<16xf32> to vector<1xf32>
    %squeeze3A_122 = vector.extract %slice3A_121[0] : f32 from vector<1xf32>
    %slice3A_123 = vector.extract_strided_slice %get3A_26 {offsets = [1], sizes = [1], strides = [1]} : vector<16xf32> to vector<1xf32>
    %squeeze3A_124 = vector.extract %slice3A_123[0] : f32 from vector<1xf32>
    %slice3A_125 = vector.extract_strided_slice %get3A_26 {offsets = [2], sizes = [1], strides = [1]} : vector<16xf32> to vector<1xf32>
    %squeeze3A_126 = vector.extract %slice3A_125[0] : f32 from vector<1xf32>
    %slice3A_127 = vector.extract_strided_slice %get3A_26 {offsets = [3], sizes = [1], strides = [1]} : vector<16xf32> to vector<1xf32>
    %squeeze3A_128 = vector.extract %slice3A_127[0] : f32 from vector<1xf32>
    %slice3A_129 = vector.extract_strided_slice %get3A_26 {offsets = [4], sizes = [1], strides = [1]} : vector<16xf32> to vector<1xf32>
    %squeeze3A_130 = vector.extract %slice3A_129[0] : f32 from vector<1xf32>
    %slice3A_131 = vector.extract_strided_slice %get3A_26 {offsets = [5], sizes = [1], strides = [1]} : vector<16xf32> to vector<1xf32>
    %squeeze3A_132 = vector.extract %slice3A_131[0] : f32 from vector<1xf32>
    %slice3A_133 = vector.extract_strided_slice %get3A_26 {offsets = [6], sizes = [1], strides = [1]} : vector<16xf32> to vector<1xf32>
    %squeeze3A_134 = vector.extract %slice3A_133[0] : f32 from vector<1xf32>
    %slice3A_135 = vector.extract_strided_slice %get3A_26 {offsets = [7], sizes = [1], strides = [1]} : vector<16xf32> to vector<1xf32>
    %squeeze3A_136 = vector.extract %slice3A_135[0] : f32 from vector<1xf32>
    %slice3A_137 = vector.extract_strided_slice %get3A_26 {offsets = [8], sizes = [1], strides = [1]} : vector<16xf32> to vector<1xf32>
    %squeeze3A_138 = vector.extract %slice3A_137[0] : f32 from vector<1xf32>
    %slice3A_139 = vector.extract_strided_slice %get3A_26 {offsets = [9], sizes = [1], strides = [1]} : vector<16xf32> to vector<1xf32>
    %squeeze3A_140 = vector.extract %slice3A_139[0] : f32 from vector<1xf32>
    %slice3A_141 = vector.extract_strided_slice %get3A_26 {offsets = [10], sizes = [1], strides = [1]} : vector<16xf32> to vector<1xf32>
    %squeeze3A_142 = vector.extract %slice3A_141[0] : f32 from vector<1xf32>
    %slice3A_143 = vector.extract_strided_slice %get3A_26 {offsets = [11], sizes = [1], strides = [1]} : vector<16xf32> to vector<1xf32>
    %squeeze3A_144 = vector.extract %slice3A_143[0] : f32 from vector<1xf32>
    %slice3A_145 = vector.extract_strided_slice %get3A_26 {offsets = [12], sizes = [1], strides = [1]} : vector<16xf32> to vector<1xf32>
    %squeeze3A_146 = vector.extract %slice3A_145[0] : f32 from vector<1xf32>
    %slice3A_147 = vector.extract_strided_slice %get3A_26 {offsets = [13], sizes = [1], strides = [1]} : vector<16xf32> to vector<1xf32>
    %squeeze3A_148 = vector.extract %slice3A_147[0] : f32 from vector<1xf32>
    %slice3A_149 = vector.extract_strided_slice %get3A_26 {offsets = [14], sizes = [1], strides = [1]} : vector<16xf32> to vector<1xf32>
    %squeeze3A_150 = vector.extract %slice3A_149[0] : f32 from vector<1xf32>
    %slice3A_151 = vector.extract_strided_slice %get3A_26 {offsets = [15], sizes = [1], strides = [1]} : vector<16xf32> to vector<1xf32>
    %squeeze3A_152 = vector.extract %slice3A_151[0] : f32 from vector<1xf32>
    %scan3A = arith.constant 0 : i32
    %scan3A_153 = arith.constant 0 : i32
    %scan3A_154 = arith.constant 100 : i32
    %scan3A_155 = arith.addi %scan3A_153, %scan3A_154 : i32
    %scan3A_156 = arith.constant 1 : i32
    %scan3A_157 = scf.for %scan3A_164 = %scan3A_153 to %scan3A_155 step %scan3A_156 iter_args(%scan3A_165 = %scan3A) -> (i32)  : i32 {
      %mul3A_166 = arith.constant 200000 : i32
      %mul3A_167 = arith.muli %add3A, %mul3A_166 : i32
      %mul3A_168 = arith.constant 2000 : i32
      %mul3A_169 = arith.muli %scan3A_164, %mul3A_168 : i32
      %add3A_170 = arith.addi %mul3A_167, %mul3A_169 : i32
      %dma_start3A = tpu.memref_slice %arg6[%add3A_170] : memref<6400000xi32, #tpu.memory_space<hbm>> -> memref<2000xi32, #tpu.memory_space<hbm>>
      %dma_start3A_171 = tpu.memref_slice %arg6[%add3A_170] : memref<6400000xi32, #tpu.memory_space<hbm>> -> memref<2000xi32, #tpu.memory_space<hbm>>
      tpu.enqueue_dma source(%dma_start3A_171 : memref<2000xi32, #tpu.memory_space<hbm>>) target(%arg16 : memref<2000xi32, #tpu.memory_space<vmem>>) target_semaphore(%arg21 : memref<!tpu.dma_semaphore, #tpu.memory_space<semaphore_mem>>)
      %dma_start3A_172 = tpu.memref_slice %arg7[%add3A_170] : memref<6400000xi32, #tpu.memory_space<hbm>> -> memref<2000xi32, #tpu.memory_space<hbm>>
      %dma_start3A_173 = tpu.memref_slice %arg7[%add3A_170] : memref<6400000xi32, #tpu.memory_space<hbm>> -> memref<2000xi32, #tpu.memory_space<hbm>>
      tpu.enqueue_dma source(%dma_start3A_173 : memref<2000xi32, #tpu.memory_space<hbm>>) target(%arg17 : memref<2000xi32, #tpu.memory_space<vmem>>) target_semaphore(%arg21 : memref<!tpu.dma_semaphore, #tpu.memory_space<semaphore_mem>>)
      %dma_start3A_174 = tpu.memref_slice %arg3[%add3A_170] : memref<6400000xf32, #tpu.memory_space<hbm>> -> memref<2000xf32, #tpu.memory_space<hbm>>
      %dma_start3A_175 = tpu.memref_slice %arg3[%add3A_170] : memref<6400000xf32, #tpu.memory_space<hbm>> -> memref<2000xf32, #tpu.memory_space<hbm>>
      tpu.enqueue_dma source(%dma_start3A_175 : memref<2000xf32, #tpu.memory_space<hbm>>) target(%arg13 : memref<2000xf32, #tpu.memory_space<vmem>>) target_semaphore(%arg21 : memref<!tpu.dma_semaphore, #tpu.memory_space<semaphore_mem>>)
      %dma_start3A_176 = tpu.memref_slice %arg4[%add3A_170] : memref<6400000xf32, #tpu.memory_space<hbm>> -> memref<2000xf32, #tpu.memory_space<hbm>>
      %dma_start3A_177 = tpu.memref_slice %arg4[%add3A_170] : memref<6400000xf32, #tpu.memory_space<hbm>> -> memref<2000xf32, #tpu.memory_space<hbm>>
      tpu.enqueue_dma source(%dma_start3A_177 : memref<2000xf32, #tpu.memory_space<hbm>>) target(%arg14 : memref<2000xf32, #tpu.memory_space<vmem>>) target_semaphore(%arg21 : memref<!tpu.dma_semaphore, #tpu.memory_space<semaphore_mem>>)
      %dma_start3A_178 = tpu.memref_slice %arg5[%add3A_170] : memref<6400000xf32, #tpu.memory_space<hbm>> -> memref<2000xf32, #tpu.memory_space<hbm>>
      %dma_start3A_179 = tpu.memref_slice %arg5[%add3A_170] : memref<6400000xf32, #tpu.memory_space<hbm>> -> memref<2000xf32, #tpu.memory_space<hbm>>
      tpu.enqueue_dma source(%dma_start3A_179 : memref<2000xf32, #tpu.memory_space<hbm>>) target(%arg15 : memref<2000xf32, #tpu.memory_space<vmem>>) target_semaphore(%arg21 : memref<!tpu.dma_semaphore, #tpu.memory_space<semaphore_mem>>)
      %dma_wait3A = tpu.memref_slice %arg6[%add3A_170] : memref<6400000xi32, #tpu.memory_space<hbm>> -> memref<2000xi32, #tpu.memory_space<hbm>>
      %dma_wait3A_180 = tpu.memref_slice %arg6[%add3A_170] : memref<6400000xi32, #tpu.memory_space<hbm>> -> memref<2000xi32, #tpu.memory_space<hbm>>
      tpu.wait_dma2 semaphore(%arg21 : memref<!tpu.dma_semaphore, #tpu.memory_space<semaphore_mem>>) src(%dma_wait3A_180 : memref<2000xi32, #tpu.memory_space<hbm>>) dst(%arg16 : memref<2000xi32, #tpu.memory_space<vmem>>)
      %dma_start3A_181 = arith.constant 0 : i32
      %dma_start3A_182 = arith.constant 0 : i32
      %dma_start3A_183 = tpu.memref_slice %arg2[%dma_start3A_181, %dma_start3A_182] : memref<100096x8xf32, #tpu.memory_space<hbm>> -> memref<100096x8xf32, #tpu.memory_space<hbm>>
      tpu.enqueue_indirect_dma source(%dma_start3A_183 : memref<100096x8xf32, #tpu.memory_space<hbm>>) target(%arg18 : memref<2000x8xf32, #tpu.memory_space<vmem>>) offsets(%arg16 : memref<2000xi32, #tpu.memory_space<vmem>>) semaphore(%arg20 : memref<!tpu.dma_semaphore, #tpu.memory_space<semaphore_mem>>)
      %dma_wait3A_184 = tpu.memref_slice %arg7[%add3A_170] : memref<6400000xi32, #tpu.memory_space<hbm>> -> memref<2000xi32, #tpu.memory_space<hbm>>
      %dma_wait3A_185 = tpu.memref_slice %arg7[%add3A_170] : memref<6400000xi32, #tpu.memory_space<hbm>> -> memref<2000xi32, #tpu.memory_space<hbm>>
      tpu.wait_dma2 semaphore(%arg21 : memref<!tpu.dma_semaphore, #tpu.memory_space<semaphore_mem>>) src(%dma_wait3A_185 : memref<2000xi32, #tpu.memory_space<hbm>>) dst(%arg17 : memref<2000xi32, #tpu.memory_space<vmem>>)
      %dma_wait3A_186 = tpu.memref_slice %arg3[%add3A_170] : memref<6400000xf32, #tpu.memory_space<hbm>> -> memref<2000xf32, #tpu.memory_space<hbm>>
      %dma_wait3A_187 = tpu.memref_slice %arg3[%add3A_170] : memref<6400000xf32, #tpu.memory_space<hbm>> -> memref<2000xf32, #tpu.memory_space<hbm>>
      tpu.wait_dma2 semaphore(%arg21 : memref<!tpu.dma_semaphore, #tpu.memory_space<semaphore_mem>>) src(%dma_wait3A_187 : memref<2000xf32, #tpu.memory_space<hbm>>) dst(%arg13 : memref<2000xf32, #tpu.memory_space<vmem>>)
      %dma_wait3A_188 = tpu.memref_slice %arg4[%add3A_170] : memref<6400000xf32, #tpu.memory_space<hbm>> -> memref<2000xf32, #tpu.memory_space<hbm>>
      %dma_wait3A_189 = tpu.memref_slice %arg4[%add3A_170] : memref<6400000xf32, #tpu.memory_space<hbm>> -> memref<2000xf32, #tpu.memory_space<hbm>>
      tpu.wait_dma2 semaphore(%arg21 : memref<!tpu.dma_semaphore, #tpu.memory_space<semaphore_mem>>) src(%dma_wait3A_189 : memref<2000xf32, #tpu.memory_space<hbm>>) dst(%arg14 : memref<2000xf32, #tpu.memory_space<vmem>>)
      %dma_wait3A_190 = tpu.memref_slice %arg5[%add3A_170] : memref<6400000xf32, #tpu.memory_space<hbm>> -> memref<2000xf32, #tpu.memory_space<hbm>>
      %dma_wait3A_191 = tpu.memref_slice %arg5[%add3A_170] : memref<6400000xf32, #tpu.memory_space<hbm>> -> memref<2000xf32, #tpu.memory_space<hbm>>
      tpu.wait_dma2 semaphore(%arg21 : memref<!tpu.dma_semaphore, #tpu.memory_space<semaphore_mem>>) src(%dma_wait3A_191 : memref<2000xf32, #tpu.memory_space<hbm>>) dst(%arg15 : memref<2000xf32, #tpu.memory_space<vmem>>)
      %dma_wait3A_192 = arith.constant 0 : i32
      %dma_wait3A_193 = arith.constant 0 : i32
      %dma_wait3A_194 = tpu.memref_slice %arg2[%dma_wait3A_192, %dma_wait3A_193] : memref<100096x8xf32, #tpu.memory_space<hbm>> -> memref<100096x8xf32, #tpu.memory_space<hbm>>
      tpu.wait_indirect_dma semaphore(%arg20 : memref<!tpu.dma_semaphore, #tpu.memory_space<semaphore_mem>>) src(%dma_wait3A_194 : memref<100096x8xf32, #tpu.memory_space<hbm>>) dst(%arg18 : memref<2000x8xf32, #tpu.memory_space<vmem>>)
      %scan3A_195 = arith.constant 0 : i32
      %scan3A_196 = arith.constant 0 : i32
      %scan3A_197 = arith.constant 124 : i32
      %scan3A_198 = arith.addi %scan3A_196, %scan3A_197 : i32
      %scan3A_199 = arith.constant 4 : i32
      %scan3A_200 = scf.for %scan3A_413 = %scan3A_196 to %scan3A_198 step %scan3A_199 iter_args(%scan3A_414 = %scan3A_195) -> (i32)  : i32 {
        %mul3A_415 = arith.constant 16 : i32
        %mul3A_416 = arith.muli %scan3A_413, %mul3A_415 : i32
        %add3A_417 = vector.broadcast %mul3A_416 : i32 to vector<16xi32>
        %add3A_418 = arith.addi %iota3A, %add3A_417 : vector<16xi32>
        %mul3A_419 = arith.constant 16 : i32
        %mul3A_420 = arith.muli %scan3A_413, %mul3A_419 : i32
        %get3A_421 = arith.index_cast %mul3A_420 : i32 to index
        %get3A_422 = tpu.vector_load %arg13[%get3A_421] {strides = array<i32>} : memref<2000xf32, #tpu.memory_space<vmem>>, vector<16xf32>,
        %mul3A_423 = arith.constant 16 : i32
        %mul3A_424 = arith.muli %scan3A_413, %mul3A_423 : i32
        %get3A_425 = arith.index_cast %mul3A_424 : i32 to index
        %get3A_426 = tpu.vector_load %arg14[%get3A_425] {strides = array<i32>} : memref<2000xf32, #tpu.memory_space<vmem>>, vector<16xf32>,
        %mul3A_427 = arith.constant 16 : i32
        %mul3A_428 = arith.muli %scan3A_413, %mul3A_427 : i32
        %get3A_429 = arith.index_cast %mul3A_428 : i32 to index
        %get3A_430 = tpu.vector_load %arg15[%get3A_429] {strides = array<i32>} : memref<2000xf32, #tpu.memory_space<vmem>>, vector<16xf32>,
        %gather3A_431 = tpu.vector_load_idx %arg18[%add3A_418, %broadcast_in_dim3A_5] : memref<2000x8xf32, #tpu.memory_space<vmem>>[vector<16xi32>, vector<16xi32>], vector<16xf32>,
        %gather3A_432 = tpu.vector_load_idx %arg18[%add3A_418, %broadcast_in_dim3A_7] : memref<2000x8xf32, #tpu.memory_space<vmem>>[vector<16xi32>, vector<16xi32>], vector<16xf32>,
        %gather3A_433 = tpu.vector_load_idx %arg18[%add3A_418, %broadcast_in_dim3A_9] : memref<2000x8xf32, #tpu.memory_space<vmem>>[vector<16xi32>, vector<16xi32>], vector<16xf32>,
        %gather3A_434 = tpu.vector_load_idx %arg18[%add3A_418, %broadcast_in_dim3A_11] : memref<2000x8xf32, #tpu.memory_space<vmem>>[vector<16xi32>, vector<16xi32>], vector<16xf32>,
        %mul3A_435 = vector.broadcast %squeeze3A : f32 to vector<16xf32>
        %mul3A_436 = arith.mulf %get3A_422, %mul3A_435 : vector<16xf32>
        %mul3A_437 = vector.broadcast %squeeze3A_58 : f32 to vector<16xf32>
        %mul3A_438 = arith.mulf %get3A_426, %mul3A_437 : vector<16xf32>
        %add3A_439 = arith.addf %mul3A_436, %mul3A_438 : vector<16xf32>
        %mul3A_440 = vector.broadcast %squeeze3A_90 : f32 to vector<16xf32>
        %mul3A_441 = arith.mulf %get3A_430, %mul3A_440 : vector<16xf32>
        %add3A_442 = arith.addf %add3A_439, %mul3A_441 : vector<16xf32>
        %add3A_443 = vector.broadcast %squeeze3A_122 : f32 to vector<16xf32>
        %add3A_444 = arith.addf %add3A_442, %add3A_443 : vector<16xf32>
        %mul3A_445 = arith.mulf %add3A_444, %gather3A_431 : vector<16xf32>
        %mul3A_446 = vector.broadcast %squeeze3A_28 : f32 to vector<16xf32>
        %mul3A_447 = arith.mulf %get3A_422, %mul3A_446 : vector<16xf32>
        %mul3A_448 = vector.broadcast %squeeze3A_60 : f32 to vector<16xf32>
        %mul3A_449 = arith.mulf %get3A_426, %mul3A_448 : vector<16xf32>
        %add3A_450 = arith.addf %mul3A_447, %mul3A_449 : vector<16xf32>
        %mul3A_451 = vector.broadcast %squeeze3A_92 : f32 to vector<16xf32>
        %mul3A_452 = arith.mulf %get3A_430, %mul3A_451 : vector<16xf32>
        %add3A_453 = arith.addf %add3A_450, %mul3A_452 : vector<16xf32>
        %add3A_454 = vector.broadcast %squeeze3A_124 : f32 to vector<16xf32>
        %add3A_455 = arith.addf %add3A_453, %add3A_454 : vector<16xf32>
        %mul3A_456 = arith.mulf %add3A_455, %gather3A_432 : vector<16xf32>
        %add3A_457 = arith.addf %mul3A_445, %mul3A_456 : vector<16xf32>
        %mul3A_458 = vector.broadcast %squeeze3A_30 : f32 to vector<16xf32>
        %mul3A_459 = arith.mulf %get3A_422, %mul3A_458 : vector<16xf32>
        %mul3A_460 = vector.broadcast %squeeze3A_62 : f32 to vector<16xf32>
        %mul3A_461 = arith.mulf %get3A_426, %mul3A_460 : vector<16xf32>
        %add3A_462 = arith.addf %mul3A_459, %mul3A_461 : vector<16xf32>
        %mul3A_463 = vector.broadcast %squeeze3A_94 : f32 to vector<16xf32>
        %mul3A_464 = arith.mulf %get3A_430, %mul3A_463 : vector<16xf32>
        %add3A_465 = arith.addf %add3A_462, %mul3A_464 : vector<16xf32>
        %add3A_466 = vector.broadcast %squeeze3A_126 : f32 to vector<16xf32>
        %add3A_467 = arith.addf %add3A_465, %add3A_466 : vector<16xf32>
        %mul3A_468 = arith.mulf %add3A_467, %gather3A_433 : vector<16xf32>
        %add3A_469 = arith.addf %add3A_457, %mul3A_468 : vector<16xf32>
        %mul3A_470 = vector.broadcast %squeeze3A_32 : f32 to vector<16xf32>
        %mul3A_471 = arith.mulf %get3A_422, %mul3A_470 : vector<16xf32>
        %mul3A_472 = vector.broadcast %squeeze3A_64 : f32 to vector<16xf32>
        %mul3A_473 = arith.mulf %get3A_426, %mul3A_472 : vector<16xf32>
        %add3A_474 = arith.addf %mul3A_471, %mul3A_473 : vector<16xf32>
        %mul3A_475 = vector.broadcast %squeeze3A_96 : f32 to vector<16xf32>
        %mul3A_476 = arith.mulf %get3A_430, %mul3A_475 : vector<16xf32>
        %add3A_477 = arith.addf %add3A_474, %mul3A_476 : vector<16xf32>
        %add3A_478 = vector.broadcast %squeeze3A_128 : f32 to vector<16xf32>
        %add3A_479 = arith.addf %add3A_477, %add3A_478 : vector<16xf32>
        %mul3A_480 = arith.mulf %add3A_479, %gather3A_434 : vector<16xf32>
        %add3A_481 = arith.addf %add3A_469, %mul3A_480 : vector<16xf32>
        tpu.vector_store_idx %arg19[%add3A_418, %broadcast_in_dim3A_5], %add3A_481 : memref<2000x8xf32, #tpu.memory_space<vmem>>[vector<16xi32>, vector<16xi32>], vector<16xf32>,
        %mul3A_482 = vector.broadcast %squeeze3A_34 : f32 to vector<16xf32>
        %mul3A_483 = arith.mulf %get3A_422, %mul3A_482 : vector<16xf32>
        %mul3A_484 = vector.broadcast %squeeze3A_66 : f32 to vector<16xf32>
        %mul3A_485 = arith.mulf %get3A_426, %mul3A_484 : vector<16xf32>
        %add3A_486 = arith.addf %mul3A_483, %mul3A_485 : vector<16xf32>
        %mul3A_487 = vector.broadcast %squeeze3A_98 : f32 to vector<16xf32>
        %mul3A_488 = arith.mulf %get3A_430, %mul3A_487 : vector<16xf32>
        %add3A_489 = arith.addf %add3A_486, %mul3A_488 : vector<16xf32>
        %add3A_490 = vector.broadcast %squeeze3A_130 : f32 to vector<16xf32>
        %add3A_491 = arith.addf %add3A_489, %add3A_490 : vector<16xf32>
        %mul3A_492 = arith.mulf %add3A_491, %gather3A_431 : vector<16xf32>
        %mul3A_493 = vector.broadcast %squeeze3A_36 : f32 to vector<16xf32>
        %mul3A_494 = arith.mulf %get3A_422, %mul3A_493 : vector<16xf32>
        %mul3A_495 = vector.broadcast %squeeze3A_68 : f32 to vector<16xf32>
        %mul3A_496 = arith.mulf %get3A_426, %mul3A_495 : vector<16xf32>
        %add3A_497 = arith.addf %mul3A_494, %mul3A_496 : vector<16xf32>
        %mul3A_498 = vector.broadcast %squeeze3A_100 : f32 to vector<16xf32>
        %mul3A_499 = arith.mulf %get3A_430, %mul3A_498 : vector<16xf32>
        %add3A_500 = arith.addf %add3A_497, %mul3A_499 : vector<16xf32>
        %add3A_501 = vector.broadcast %squeeze3A_132 : f32 to vector<16xf32>
        %add3A_502 = arith.addf %add3A_500, %add3A_501 : vector<16xf32>
        %mul3A_503 = arith.mulf %add3A_502, %gather3A_432 : vector<16xf32>
        %add3A_504 = arith.addf %mul3A_492, %mul3A_503 : vector<16xf32>
        %mul3A_505 = vector.broadcast %squeeze3A_38 : f32 to vector<16xf32>
        %mul3A_506 = arith.mulf %get3A_422, %mul3A_505 : vector<16xf32>
        %mul3A_507 = vector.broadcast %squeeze3A_70 : f32 to vector<16xf32>
        %mul3A_508 = arith.mulf %get3A_426, %mul3A_507 : vector<16xf32>
        %add3A_509 = arith.addf %mul3A_506, %mul3A_508 : vector<16xf32>
        %mul3A_510 = vector.broadcast %squeeze3A_102 : f32 to vector<16xf32>
        %mul3A_511 = arith.mulf %get3A_430, %mul3A_510 : vector<16xf32>
        %add3A_512 = arith.addf %add3A_509, %mul3A_511 : vector<16xf32>
        %add3A_513 = vector.broadcast %squeeze3A_134 : f32 to vector<16xf32>
        %add3A_514 = arith.addf %add3A_512, %add3A_513 : vector<16xf32>
        %mul3A_515 = arith.mulf %add3A_514, %gather3A_433 : vector<16xf32>
        %add3A_516 = arith.addf %add3A_504, %mul3A_515 : vector<16xf32>
        %mul3A_517 = vector.broadcast %squeeze3A_40 : f32 to vector<16xf32>
        %mul3A_518 = arith.mulf %get3A_422, %mul3A_517 : vector<16xf32>
        %mul3A_519 = vector.broadcast %squeeze3A_72 : f32 to vector<16xf32>
        %mul3A_520 = arith.mulf %get3A_426, %mul3A_519 : vector<16xf32>
        %add3A_521 = arith.addf %mul3A_518, %mul3A_520 : vector<16xf32>
        %mul3A_522 = vector.broadcast %squeeze3A_104 : f32 to vector<16xf32>
        %mul3A_523 = arith.mulf %get3A_430, %mul3A_522 : vector<16xf32>
        %add3A_524 = arith.addf %add3A_521, %mul3A_523 : vector<16xf32>
        %add3A_525 = vector.broadcast %squeeze3A_136 : f32 to vector<16xf32>
        %add3A_526 = arith.addf %add3A_524, %add3A_525 : vector<16xf32>
        %mul3A_527 = arith.mulf %add3A_526, %gather3A_434 : vector<16xf32>
        %add3A_528 = arith.addf %add3A_516, %mul3A_527 : vector<16xf32>
        tpu.vector_store_idx %arg19[%add3A_418, %broadcast_in_dim3A_7], %add3A_528 : memref<2000x8xf32, #tpu.memory_space<vmem>>[vector<16xi32>, vector<16xi32>], vector<16xf32>,
        %mul3A_529 = vector.broadcast %squeeze3A_42 : f32 to vector<16xf32>
        %mul3A_530 = arith.mulf %get3A_422, %mul3A_529 : vector<16xf32>
        %mul3A_531 = vector.broadcast %squeeze3A_74 : f32 to vector<16xf32>
        %mul3A_532 = arith.mulf %get3A_426, %mul3A_531 : vector<16xf32>
        %add3A_533 = arith.addf %mul3A_530, %mul3A_532 : vector<16xf32>
        %mul3A_534 = vector.broadcast %squeeze3A_106 : f32 to vector<16xf32>
        %mul3A_535 = arith.mulf %get3A_430, %mul3A_534 : vector<16xf32>
        %add3A_536 = arith.addf %add3A_533, %mul3A_535 : vector<16xf32>
        %add3A_537 = vector.broadcast %squeeze3A_138 : f32 to vector<16xf32>
        %add3A_538 = arith.addf %add3A_536, %add3A_537 : vector<16xf32>
        %mul3A_539 = arith.mulf %add3A_538, %gather3A_431 : vector<16xf32>
        %mul3A_540 = vector.broadcast %squeeze3A_44 : f32 to vector<16xf32>
        %mul3A_541 = arith.mulf %get3A_422, %mul3A_540 : vector<16xf32>
        %mul3A_542 = vector.broadcast %squeeze3A_76 : f32 to vector<16xf32>
        %mul3A_543 = arith.mulf %get3A_426, %mul3A_542 : vector<16xf32>
        %add3A_544 = arith.addf %mul3A_541, %mul3A_543 : vector<16xf32>
        %mul3A_545 = vector.broadcast %squeeze3A_108 : f32 to vector<16xf32>
        %mul3A_546 = arith.mulf %get3A_430, %mul3A_545 : vector<16xf32>
        %add3A_547 = arith.addf %add3A_544, %mul3A_546 : vector<16xf32>
        %add3A_548 = vector.broadcast %squeeze3A_140 : f32 to vector<16xf32>
        %add3A_549 = arith.addf %add3A_547, %add3A_548 : vector<16xf32>
        %mul3A_550 = arith.mulf %add3A_549, %gather3A_432 : vector<16xf32>
        %add3A_551 = arith.addf %mul3A_539, %mul3A_550 : vector<16xf32>
        %mul3A_552 = vector.broadcast %squeeze3A_46 : f32 to vector<16xf32>
        %mul3A_553 = arith.mulf %get3A_422, %mul3A_552 : vector<16xf32>
        %mul3A_554 = vector.broadcast %squeeze3A_78 : f32 to vector<16xf32>
        %mul3A_555 = arith.mulf %get3A_426, %mul3A_554 : vector<16xf32>
        %add3A_556 = arith.addf %mul3A_553, %mul3A_555 : vector<16xf32>
        %mul3A_557 = vector.broadcast %squeeze3A_110 : f32 to vector<16xf32>
        %mul3A_558 = arith.mulf %get3A_430, %mul3A_557 : vector<16xf32>
        %add3A_559 = arith.addf %add3A_556, %mul3A_558 : vector<16xf32>
        %add3A_560 = vector.broadcast %squeeze3A_142 : f32 to vector<16xf32>
        %add3A_561 = arith.addf %add3A_559, %add3A_560 : vector<16xf32>
        %mul3A_562 = arith.mulf %add3A_561, %gather3A_433 : vector<16xf32>
        %add3A_563 = arith.addf %add3A_551, %mul3A_562 : vector<16xf32>
        %mul3A_564 = vector.broadcast %squeeze3A_48 : f32 to vector<16xf32>
        %mul3A_565 = arith.mulf %get3A_422, %mul3A_564 : vector<16xf32>
        %mul3A_566 = vector.broadcast %squeeze3A_80 : f32 to vector<16xf32>
        %mul3A_567 = arith.mulf %get3A_426, %mul3A_566 : vector<16xf32>
        %add3A_568 = arith.addf %mul3A_565, %mul3A_567 : vector<16xf32>
        %mul3A_569 = vector.broadcast %squeeze3A_112 : f32 to vector<16xf32>
        %mul3A_570 = arith.mulf %get3A_430, %mul3A_569 : vector<16xf32>
        %add3A_571 = arith.addf %add3A_568, %mul3A_570 : vector<16xf32>
        %add3A_572 = vector.broadcast %squeeze3A_144 : f32 to vector<16xf32>
        %add3A_573 = arith.addf %add3A_571, %add3A_572 : vector<16xf32>
        %mul3A_574 = arith.mulf %add3A_573, %gather3A_434 : vector<16xf32>
        %add3A_575 = arith.addf %add3A_563, %mul3A_574 : vector<16xf32>
        tpu.vector_store_idx %arg19[%add3A_418, %broadcast_in_dim3A_9], %add3A_575 : memref<2000x8xf32, #tpu.memory_space<vmem>>[vector<16xi32>, vector<16xi32>], vector<16xf32>,
        %mul3A_576 = vector.broadcast %squeeze3A_50 : f32 to vector<16xf32>
        %mul3A_577 = arith.mulf %get3A_422, %mul3A_576 : vector<16xf32>
        %mul3A_578 = vector.broadcast %squeeze3A_82 : f32 to vector<16xf32>
        %mul3A_579 = arith.mulf %get3A_426, %mul3A_578 : vector<16xf32>
        %add3A_580 = arith.addf %mul3A_577, %mul3A_579 : vector<16xf32>
        %mul3A_581 = vector.broadcast %squeeze3A_114 : f32 to vector<16xf32>
        %mul3A_582 = arith.mulf %get3A_430, %mul3A_581 : vector<16xf32>
        %add3A_583 = arith.addf %add3A_580, %mul3A_582 : vector<16xf32>
        %add3A_584 = vector.broadcast %squeeze3A_146 : f32 to vector<16xf32>
        %add3A_585 = arith.addf %add3A_583, %add3A_584 : vector<16xf32>
        %mul3A_586 = arith.mulf %add3A_585, %gather3A_431 : vector<16xf32>
        %mul3A_587 = vector.broadcast %squeeze3A_52 : f32 to vector<16xf32>
        %mul3A_588 = arith.mulf %get3A_422, %mul3A_587 : vector<16xf32>
        %mul3A_589 = vector.broadcast %squeeze3A_84 : f32 to vector<16xf32>
        %mul3A_590 = arith.mulf %get3A_426, %mul3A_589 : vector<16xf32>
        %add3A_591 = arith.addf %mul3A_588, %mul3A_590 : vector<16xf32>
        %mul3A_592 = vector.broadcast %squeeze3A_116 : f32 to vector<16xf32>
        %mul3A_593 = arith.mulf %get3A_430, %mul3A_592 : vector<16xf32>
        %add3A_594 = arith.addf %add3A_591, %mul3A_593 : vector<16xf32>
        %add3A_595 = vector.broadcast %squeeze3A_148 : f32 to vector<16xf32>
        %add3A_596 = arith.addf %add3A_594, %add3A_595 : vector<16xf32>
        %mul3A_597 = arith.mulf %add3A_596, %gather3A_432 : vector<16xf32>
        %add3A_598 = arith.addf %mul3A_586, %mul3A_597 : vector<16xf32>
        %mul3A_599 = vector.broadcast %squeeze3A_54 : f32 to vector<16xf32>
        %mul3A_600 = arith.mulf %get3A_422, %mul3A_599 : vector<16xf32>
        %mul3A_601 = vector.broadcast %squeeze3A_86 : f32 to vector<16xf32>
        %mul3A_602 = arith.mulf %get3A_426, %mul3A_601 : vector<16xf32>
        %add3A_603 = arith.addf %mul3A_600, %mul3A_602 : vector<16xf32>
        %mul3A_604 = vector.broadcast %squeeze3A_118 : f32 to vector<16xf32>
        %mul3A_605 = arith.mulf %get3A_430, %mul3A_604 : vector<16xf32>
        %add3A_606 = arith.addf %add3A_603, %mul3A_605 : vector<16xf32>
        %add3A_607 = vector.broadcast %squeeze3A_150 : f32 to vector<16xf32>
        %add3A_608 = arith.addf %add3A_606, %add3A_607 : vector<16xf32>
        %mul3A_609 = arith.mulf %add3A_608, %gather3A_433 : vector<16xf32>
        %add3A_610 = arith.addf %add3A_598, %mul3A_609 : vector<16xf32>
        %mul3A_611 = vector.broadcast %squeeze3A_56 : f32 to vector<16xf32>
        %mul3A_612 = arith.mulf %get3A_422, %mul3A_611 : vector<16xf32>
        %mul3A_613 = vector.broadcast %squeeze3A_88 : f32 to vector<16xf32>
        %mul3A_614 = arith.mulf %get3A_426, %mul3A_613 : vector<16xf32>
        %add3A_615 = arith.addf %mul3A_612, %mul3A_614 : vector<16xf32>
        %mul3A_616 = vector.broadcast %squeeze3A_120 : f32 to vector<16xf32>
        %mul3A_617 = arith.mulf %get3A_430, %mul3A_616 : vector<16xf32>
        %add3A_618 = arith.addf %add3A_615, %mul3A_617 : vector<16xf32>
        %add3A_619 = vector.broadcast %squeeze3A_152 : f32 to vector<16xf32>
        %add3A_620 = arith.addf %add3A_618, %add3A_619 : vector<16xf32>
        %mul3A_621 = arith.mulf %add3A_620, %gather3A_434 : vector<16xf32>
        %add3A_622 = arith.addf %add3A_610, %mul3A_621 : vector<16xf32>
        tpu.vector_store_idx %arg19[%add3A_418, %broadcast_in_dim3A_11], %add3A_622 : memref<2000x8xf32, #tpu.memory_space<vmem>>[vector<16xi32>, vector<16xi32>], vector<16xf32>,
        %scan3A_623 = arith.constant 0 : i32
        %scan3A_624 = arith.constant 1 : i32
        %scan3A_625 = arith.addi %scan3A_413, %scan3A_624 : i32
        %mul3A_626 = arith.constant 16 : i32
        %mul3A_627 = arith.muli %scan3A_625, %mul3A_626 : i32
        %add3A_628 = vector.broadcast %mul3A_627 : i32 to vector<16xi32>
        %add3A_629 = arith.addi %iota3A, %add3A_628 : vector<16xi32>
        %mul3A_630 = arith.constant 16 : i32
        %mul3A_631 = arith.muli %scan3A_625, %mul3A_630 : i32
        %get3A_632 = arith.index_cast %mul3A_631 : i32 to index
        %get3A_633 = tpu.vector_load %arg13[%get3A_632] {strides = array<i32>} : memref<2000xf32, #tpu.memory_space<vmem>>, vector<16xf32>,
        %mul3A_634 = arith.constant 16 : i32
        %mul3A_635 = arith.muli %scan3A_625, %mul3A_634 : i32
        %get3A_636 = arith.index_cast %mul3A_635 : i32 to index
        %get3A_637 = tpu.vector_load %arg14[%get3A_636] {strides = array<i32>} : memref<2000xf32, #tpu.memory_space<vmem>>, vector<16xf32>,
        %mul3A_638 = arith.constant 16 : i32
        %mul3A_639 = arith.muli %scan3A_625, %mul3A_638 : i32
        %get3A_640 = arith.index_cast %mul3A_639 : i32 to index
        %get3A_641 = tpu.vector_load %arg15[%get3A_640] {strides = array<i32>} : memref<2000xf32, #tpu.memory_space<vmem>>, vector<16xf32>,
        %gather3A_642 = tpu.vector_load_idx %arg18[%add3A_629, %broadcast_in_dim3A_5] : memref<2000x8xf32, #tpu.memory_space<vmem>>[vector<16xi32>, vector<16xi32>], vector<16xf32>,
        %gather3A_643 = tpu.vector_load_idx %arg18[%add3A_629, %broadcast_in_dim3A_7] : memref<2000x8xf32, #tpu.memory_space<vmem>>[vector<16xi32>, vector<16xi32>], vector<16xf32>,
        %gather3A_644 = tpu.vector_load_idx %arg18[%add3A_629, %broadcast_in_dim3A_9] : memref<2000x8xf32, #tpu.memory_space<vmem>>[vector<16xi32>, vector<16xi32>], vector<16xf32>,
        %gather3A_645 = tpu.vector_load_idx %arg18[%add3A_629, %broadcast_in_dim3A_11] : memref<2000x8xf32, #tpu.memory_space<vmem>>[vector<16xi32>, vector<16xi32>], vector<16xf32>,
        %mul3A_646 = vector.broadcast %squeeze3A : f32 to vector<16xf32>
        %mul3A_647 = arith.mulf %get3A_633, %mul3A_646 : vector<16xf32>
        %mul3A_648 = vector.broadcast %squeeze3A_58 : f32 to vector<16xf32>
        %mul3A_649 = arith.mulf %get3A_637, %mul3A_648 : vector<16xf32>
        %add3A_650 = arith.addf %mul3A_647, %mul3A_649 : vector<16xf32>
        %mul3A_651 = vector.broadcast %squeeze3A_90 : f32 to vector<16xf32>
        %mul3A_652 = arith.mulf %get3A_641, %mul3A_651 : vector<16xf32>
        %add3A_653 = arith.addf %add3A_650, %mul3A_652 : vector<16xf32>
        %add3A_654 = vector.broadcast %squeeze3A_122 : f32 to vector<16xf32>
        %add3A_655 = arith.addf %add3A_653, %add3A_654 : vector<16xf32>
        %mul3A_656 = arith.mulf %add3A_655, %gather3A_642 : vector<16xf32>
        %mul3A_657 = vector.broadcast %squeeze3A_28 : f32 to vector<16xf32>
        %mul3A_658 = arith.mulf %get3A_633, %mul3A_657 : vector<16xf32>
        %mul3A_659 = vector.broadcast %squeeze3A_60 : f32 to vector<16xf32>
        %mul3A_660 = arith.mulf %get3A_637, %mul3A_659 : vector<16xf32>
        %add3A_661 = arith.addf %mul3A_658, %mul3A_660 : vector<16xf32>
        %mul3A_662 = vector.broadcast %squeeze3A_92 : f32 to vector<16xf32>
        %mul3A_663 = arith.mulf %get3A_641, %mul3A_662 : vector<16xf32>
        %add3A_664 = arith.addf %add3A_661, %mul3A_663 : vector<16xf32>
        %add3A_665 = vector.broadcast %squeeze3A_124 : f32 to vector<16xf32>
        %add3A_666 = arith.addf %add3A_664, %add3A_665 : vector<16xf32>
        %mul3A_667 = arith.mulf %add3A_666, %gather3A_643 : vector<16xf32>
        %add3A_668 = arith.addf %mul3A_656, %mul3A_667 : vector<16xf32>
        %mul3A_669 = vector.broadcast %squeeze3A_30 : f32 to vector<16xf32>
        %mul3A_670 = arith.mulf %get3A_633, %mul3A_669 : vector<16xf32>
        %mul3A_671 = vector.broadcast %squeeze3A_62 : f32 to vector<16xf32>
        %mul3A_672 = arith.mulf %get3A_637, %mul3A_671 : vector<16xf32>
        %add3A_673 = arith.addf %mul3A_670, %mul3A_672 : vector<16xf32>
        %mul3A_674 = vector.broadcast %squeeze3A_94 : f32 to vector<16xf32>
        %mul3A_675 = arith.mulf %get3A_641, %mul3A_674 : vector<16xf32>
        %add3A_676 = arith.addf %add3A_673, %mul3A_675 : vector<16xf32>
        %add3A_677 = vector.broadcast %squeeze3A_126 : f32 to vector<16xf32>
        %add3A_678 = arith.addf %add3A_676, %add3A_677 : vector<16xf32>
        %mul3A_679 = arith.mulf %add3A_678, %gather3A_644 : vector<16xf32>
        %add3A_680 = arith.addf %add3A_668, %mul3A_679 : vector<16xf32>
        %mul3A_681 = vector.broadcast %squeeze3A_32 : f32 to vector<16xf32>
        %mul3A_682 = arith.mulf %get3A_633, %mul3A_681 : vector<16xf32>
        %mul3A_683 = vector.broadcast %squeeze3A_64 : f32 to vector<16xf32>
        %mul3A_684 = arith.mulf %get3A_637, %mul3A_683 : vector<16xf32>
        %add3A_685 = arith.addf %mul3A_682, %mul3A_684 : vector<16xf32>
        %mul3A_686 = vector.broadcast %squeeze3A_96 : f32 to vector<16xf32>
        %mul3A_687 = arith.mulf %get3A_641, %mul3A_686 : vector<16xf32>
        %add3A_688 = arith.addf %add3A_685, %mul3A_687 : vector<16xf32>
        %add3A_689 = vector.broadcast %squeeze3A_128 : f32 to vector<16xf32>
        %add3A_690 = arith.addf %add3A_688, %add3A_689 : vector<16xf32>
        %mul3A_691 = arith.mulf %add3A_690, %gather3A_645 : vector<16xf32>
        %add3A_692 = arith.addf %add3A_680, %mul3A_691 : vector<16xf32>
        tpu.vector_store_idx %arg19[%add3A_629, %broadcast_in_dim3A_5], %add3A_692 : memref<2000x8xf32, #tpu.memory_space<vmem>>[vector<16xi32>, vector<16xi32>], vector<16xf32>,
        %mul3A_693 = vector.broadcast %squeeze3A_34 : f32 to vector<16xf32>
        %mul3A_694 = arith.mulf %get3A_633, %mul3A_693 : vector<16xf32>
        %mul3A_695 = vector.broadcast %squeeze3A_66 : f32 to vector<16xf32>
        %mul3A_696 = arith.mulf %get3A_637, %mul3A_695 : vector<16xf32>
        %add3A_697 = arith.addf %mul3A_694, %mul3A_696 : vector<16xf32>
        %mul3A_698 = vector.broadcast %squeeze3A_98 : f32 to vector<16xf32>
        %mul3A_699 = arith.mulf %get3A_641, %mul3A_698 : vector<16xf32>
        %add3A_700 = arith.addf %add3A_697, %mul3A_699 : vector<16xf32>
        %add3A_701 = vector.broadcast %squeeze3A_130 : f32 to vector<16xf32>
        %add3A_702 = arith.addf %add3A_700, %add3A_701 : vector<16xf32>
        %mul3A_703 = arith.mulf %add3A_702, %gather3A_642 : vector<16xf32>
        %mul3A_704 = vector.broadcast %squeeze3A_36 : f32 to vector<16xf32>
        %mul3A_705 = arith.mulf %get3A_633, %mul3A_704 : vector<16xf32>
        %mul3A_706 = vector.broadcast %squeeze3A_68 : f32 to vector<16xf32>
        %mul3A_707 = arith.mulf %get3A_637, %mul3A_706 : vector<16xf32>
        %add3A_708 = arith.addf %mul3A_705, %mul3A_707 : vector<16xf32>
        %mul3A_709 = vector.broadcast %squeeze3A_100 : f32 to vector<16xf32>
        %mul3A_710 = arith.mulf %get3A_641, %mul3A_709 : vector<16xf32>
        %add3A_711 = arith.addf %add3A_708, %mul3A_710 : vector<16xf32>
        %add3A_712 = vector.broadcast %squeeze3A_132 : f32 to vector<16xf32>
        %add3A_713 = arith.addf %add3A_711, %add3A_712 : vector<16xf32>
        %mul3A_714 = arith.mulf %add3A_713, %gather3A_643 : vector<16xf32>
        %add3A_715 = arith.addf %mul3A_703, %mul3A_714 : vector<16xf32>
        %mul3A_716 = vector.broadcast %squeeze3A_38 : f32 to vector<16xf32>
        %mul3A_717 = arith.mulf %get3A_633, %mul3A_716 : vector<16xf32>
        %mul3A_718 = vector.broadcast %squeeze3A_70 : f32 to vector<16xf32>
        %mul3A_719 = arith.mulf %get3A_637, %mul3A_718 : vector<16xf32>
        %add3A_720 = arith.addf %mul3A_717, %mul3A_719 : vector<16xf32>
        %mul3A_721 = vector.broadcast %squeeze3A_102 : f32 to vector<16xf32>
        %mul3A_722 = arith.mulf %get3A_641, %mul3A_721 : vector<16xf32>
        %add3A_723 = arith.addf %add3A_720, %mul3A_722 : vector<16xf32>
        %add3A_724 = vector.broadcast %squeeze3A_134 : f32 to vector<16xf32>
        %add3A_725 = arith.addf %add3A_723, %add3A_724 : vector<16xf32>
        %mul3A_726 = arith.mulf %add3A_725, %gather3A_644 : vector<16xf32>
        %add3A_727 = arith.addf %add3A_715, %mul3A_726 : vector<16xf32>
        %mul3A_728 = vector.broadcast %squeeze3A_40 : f32 to vector<16xf32>
        %mul3A_729 = arith.mulf %get3A_633, %mul3A_728 : vector<16xf32>
        %mul3A_730 = vector.broadcast %squeeze3A_72 : f32 to vector<16xf32>
        %mul3A_731 = arith.mulf %get3A_637, %mul3A_730 : vector<16xf32>
        %add3A_732 = arith.addf %mul3A_729, %mul3A_731 : vector<16xf32>
        %mul3A_733 = vector.broadcast %squeeze3A_104 : f32 to vector<16xf32>
        %mul3A_734 = arith.mulf %get3A_641, %mul3A_733 : vector<16xf32>
        %add3A_735 = arith.addf %add3A_732, %mul3A_734 : vector<16xf32>
        %add3A_736 = vector.broadcast %squeeze3A_136 : f32 to vector<16xf32>
        %add3A_737 = arith.addf %add3A_735, %add3A_736 : vector<16xf32>
        %mul3A_738 = arith.mulf %add3A_737, %gather3A_645 : vector<16xf32>
        %add3A_739 = arith.addf %add3A_727, %mul3A_738 : vector<16xf32>
        tpu.vector_store_idx %arg19[%add3A_629, %broadcast_in_dim3A_7], %add3A_739 : memref<2000x8xf32, #tpu.memory_space<vmem>>[vector<16xi32>, vector<16xi32>], vector<16xf32>,
        %mul3A_740 = vector.broadcast %squeeze3A_42 : f32 to vector<16xf32>
        %mul3A_741 = arith.mulf %get3A_633, %mul3A_740 : vector<16xf32>
        %mul3A_742 = vector.broadcast %squeeze3A_74 : f32 to vector<16xf32>
        %mul3A_743 = arith.mulf %get3A_637, %mul3A_742 : vector<16xf32>
        %add3A_744 = arith.addf %mul3A_741, %mul3A_743 : vector<16xf32>
        %mul3A_745 = vector.broadcast %squeeze3A_106 : f32 to vector<16xf32>
        %mul3A_746 = arith.mulf %get3A_641, %mul3A_745 : vector<16xf32>
        %add3A_747 = arith.addf %add3A_744, %mul3A_746 : vector<16xf32>
        %add3A_748 = vector.broadcast %squeeze3A_138 : f32 to vector<16xf32>
        %add3A_749 = arith.addf %add3A_747, %add3A_748 : vector<16xf32>
        %mul3A_750 = arith.mulf %add3A_749, %gather3A_642 : vector<16xf32>
        %mul3A_751 = vector.broadcast %squeeze3A_44 : f32 to vector<16xf32>
        %mul3A_752 = arith.mulf %get3A_633, %mul3A_751 : vector<16xf32>
        %mul3A_753 = vector.broadcast %squeeze3A_76 : f32 to vector<16xf32>
        %mul3A_754 = arith.mulf %get3A_637, %mul3A_753 : vector<16xf32>
        %add3A_755 = arith.addf %mul3A_752, %mul3A_754 : vector<16xf32>
        %mul3A_756 = vector.broadcast %squeeze3A_108 : f32 to vector<16xf32>
        %mul3A_757 = arith.mulf %get3A_641, %mul3A_756 : vector<16xf32>
        %add3A_758 = arith.addf %add3A_755, %mul3A_757 : vector<16xf32>
        %add3A_759 = vector.broadcast %squeeze3A_140 : f32 to vector<16xf32>
        %add3A_760 = arith.addf %add3A_758, %add3A_759 : vector<16xf32>
        %mul3A_761 = arith.mulf %add3A_760, %gather3A_643 : vector<16xf32>
        %add3A_762 = arith.addf %mul3A_750, %mul3A_761 : vector<16xf32>
        %mul3A_763 = vector.broadcast %squeeze3A_46 : f32 to vector<16xf32>
        %mul3A_764 = arith.mulf %get3A_633, %mul3A_763 : vector<16xf32>
        %mul3A_765 = vector.broadcast %squeeze3A_78 : f32 to vector<16xf32>
        %mul3A_766 = arith.mulf %get3A_637, %mul3A_765 : vector<16xf32>
        %add3A_767 = arith.addf %mul3A_764, %mul3A_766 : vector<16xf32>
        %mul3A_768 = vector.broadcast %squeeze3A_110 : f32 to vector<16xf32>
        %mul3A_769 = arith.mulf %get3A_641, %mul3A_768 : vector<16xf32>
        %add3A_770 = arith.addf %add3A_767, %mul3A_769 : vector<16xf32>
        %add3A_771 = vector.broadcast %squeeze3A_142 : f32 to vector<16xf32>
        %add3A_772 = arith.addf %add3A_770, %add3A_771 : vector<16xf32>
        %mul3A_773 = arith.mulf %add3A_772, %gather3A_644 : vector<16xf32>
        %add3A_774 = arith.addf %add3A_762, %mul3A_773 : vector<16xf32>
        %mul3A_775 = vector.broadcast %squeeze3A_48 : f32 to vector<16xf32>
        %mul3A_776 = arith.mulf %get3A_633, %mul3A_775 : vector<16xf32>
        %mul3A_777 = vector.broadcast %squeeze3A_80 : f32 to vector<16xf32>
        %mul3A_778 = arith.mulf %get3A_637, %mul3A_777 : vector<16xf32>
        %add3A_779 = arith.addf %mul3A_776, %mul3A_778 : vector<16xf32>
        %mul3A_780 = vector.broadcast %squeeze3A_112 : f32 to vector<16xf32>
        %mul3A_781 = arith.mulf %get3A_641, %mul3A_780 : vector<16xf32>
        %add3A_782 = arith.addf %add3A_779, %mul3A_781 : vector<16xf32>
        %add3A_783 = vector.broadcast %squeeze3A_144 : f32 to vector<16xf32>
        %add3A_784 = arith.addf %add3A_782, %add3A_783 : vector<16xf32>
        %mul3A_785 = arith.mulf %add3A_784, %gather3A_645 : vector<16xf32>
        %add3A_786 = arith.addf %add3A_774, %mul3A_785 : vector<16xf32>
        tpu.vector_store_idx %arg19[%add3A_629, %broadcast_in_dim3A_9], %add3A_786 : memref<2000x8xf32, #tpu.memory_space<vmem>>[vector<16xi32>, vector<16xi32>], vector<16xf32>,
        %mul3A_787 = vector.broadcast %squeeze3A_50 : f32 to vector<16xf32>
        %mul3A_788 = arith.mulf %get3A_633, %mul3A_787 : vector<16xf32>
        %mul3A_789 = vector.broadcast %squeeze3A_82 : f32 to vector<16xf32>
        %mul3A_790 = arith.mulf %get3A_637, %mul3A_789 : vector<16xf32>
        %add3A_791 = arith.addf %mul3A_788, %mul3A_790 : vector<16xf32>
        %mul3A_792 = vector.broadcast %squeeze3A_114 : f32 to vector<16xf32>
        %mul3A_793 = arith.mulf %get3A_641, %mul3A_792 : vector<16xf32>
        %add3A_794 = arith.addf %add3A_791, %mul3A_793 : vector<16xf32>
        %add3A_795 = vector.broadcast %squeeze3A_146 : f32 to vector<16xf32>
        %add3A_796 = arith.addf %add3A_794, %add3A_795 : vector<16xf32>
        %mul3A_797 = arith.mulf %add3A_796, %gather3A_642 : vector<16xf32>
        %mul3A_798 = vector.broadcast %squeeze3A_52 : f32 to vector<16xf32>
        %mul3A_799 = arith.mulf %get3A_633, %mul3A_798 : vector<16xf32>
        %mul3A_800 = vector.broadcast %squeeze3A_84 : f32 to vector<16xf32>
        %mul3A_801 = arith.mulf %get3A_637, %mul3A_800 : vector<16xf32>
        %add3A_802 = arith.addf %mul3A_799, %mul3A_801 : vector<16xf32>
        %mul3A_803 = vector.broadcast %squeeze3A_116 : f32 to vector<16xf32>
        %mul3A_804 = arith.mulf %get3A_641, %mul3A_803 : vector<16xf32>
        %add3A_805 = arith.addf %add3A_802, %mul3A_804 : vector<16xf32>
        %add3A_806 = vector.broadcast %squeeze3A_148 : f32 to vector<16xf32>
        %add3A_807 = arith.addf %add3A_805, %add3A_806 : vector<16xf32>
        %mul3A_808 = arith.mulf %add3A_807, %gather3A_643 : vector<16xf32>
        %add3A_809 = arith.addf %mul3A_797, %mul3A_808 : vector<16xf32>
        %mul3A_810 = vector.broadcast %squeeze3A_54 : f32 to vector<16xf32>
        %mul3A_811 = arith.mulf %get3A_633, %mul3A_810 : vector<16xf32>
        %mul3A_812 = vector.broadcast %squeeze3A_86 : f32 to vector<16xf32>
        %mul3A_813 = arith.mulf %get3A_637, %mul3A_812 : vector<16xf32>
        %add3A_814 = arith.addf %mul3A_811, %mul3A_813 : vector<16xf32>
        %mul3A_815 = vector.broadcast %squeeze3A_118 : f32 to vector<16xf32>
        %mul3A_816 = arith.mulf %get3A_641, %mul3A_815 : vector<16xf32>
        %add3A_817 = arith.addf %add3A_814, %mul3A_816 : vector<16xf32>
        %add3A_818 = vector.broadcast %squeeze3A_150 : f32 to vector<16xf32>
        %add3A_819 = arith.addf %add3A_817, %add3A_818 : vector<16xf32>
        %mul3A_820 = arith.mulf %add3A_819, %gather3A_644 : vector<16xf32>
        %add3A_821 = arith.addf %add3A_809, %mul3A_820 : vector<16xf32>
        %mul3A_822 = vector.broadcast %squeeze3A_56 : f32 to vector<16xf32>
        %mul3A_823 = arith.mulf %get3A_633, %mul3A_822 : vector<16xf32>
        %mul3A_824 = vector.broadcast %squeeze3A_88 : f32 to vector<16xf32>
        %mul3A_825 = arith.mulf %get3A_637, %mul3A_824 : vector<16xf32>
        %add3A_826 = arith.addf %mul3A_823, %mul3A_825 : vector<16xf32>
        %mul3A_827 = vector.broadcast %squeeze3A_120 : f32 to vector<16xf32>
        %mul3A_828 = arith.mulf %get3A_641, %mul3A_827 : vector<16xf32>
        %add3A_829 = arith.addf %add3A_826, %mul3A_828 : vector<16xf32>
        %add3A_830 = vector.broadcast %squeeze3A_152 : f32 to vector<16xf32>
        %add3A_831 = arith.addf %add3A_829, %add3A_830 : vector<16xf32>
        %mul3A_832 = arith.mulf %add3A_831, %gather3A_645 : vector<16xf32>
        %add3A_833 = arith.addf %add3A_821, %mul3A_832 : vector<16xf32>
        tpu.vector_store_idx %arg19[%add3A_629, %broadcast_in_dim3A_11], %add3A_833 : memref<2000x8xf32, #tpu.memory_space<vmem>>[vector<16xi32>, vector<16xi32>], vector<16xf32>,
        %scan3A_834 = arith.constant 0 : i32
        %scan3A_835 = arith.constant 2 : i32
        %scan3A_836 = arith.addi %scan3A_413, %scan3A_835 : i32
        %mul3A_837 = arith.constant 16 : i32
        %mul3A_838 = arith.muli %scan3A_836, %mul3A_837 : i32
        %add3A_839 = vector.broadcast %mul3A_838 : i32 to vector<16xi32>
        %add3A_840 = arith.addi %iota3A, %add3A_839 : vector<16xi32>
        %mul3A_841 = arith.constant 16 : i32
        %mul3A_842 = arith.muli %scan3A_836, %mul3A_841 : i32
        %get3A_843 = arith.index_cast %mul3A_842 : i32 to index
        %get3A_844 = tpu.vector_load %arg13[%get3A_843] {strides = array<i32>} : memref<2000xf32, #tpu.memory_space<vmem>>, vector<16xf32>,
        %mul3A_845 = arith.constant 16 : i32
        %mul3A_846 = arith.muli %scan3A_836, %mul3A_845 : i32
        %get3A_847 = arith.index_cast %mul3A_846 : i32 to index
        %get3A_848 = tpu.vector_load %arg14[%get3A_847] {strides = array<i32>} : memref<2000xf32, #tpu.memory_space<vmem>>, vector<16xf32>,
        %mul3A_849 = arith.constant 16 : i32
        %mul3A_850 = arith.muli %scan3A_836, %mul3A_849 : i32
        %get3A_851 = arith.index_cast %mul3A_850 : i32 to index
        %get3A_852 = tpu.vector_load %arg15[%get3A_851] {strides = array<i32>} : memref<2000xf32, #tpu.memory_space<vmem>>, vector<16xf32>,
        %gather3A_853 = tpu.vector_load_idx %arg18[%add3A_840, %broadcast_in_dim3A_5] : memref<2000x8xf32, #tpu.memory_space<vmem>>[vector<16xi32>, vector<16xi32>], vector<16xf32>,
        %gather3A_854 = tpu.vector_load_idx %arg18[%add3A_840, %broadcast_in_dim3A_7] : memref<2000x8xf32, #tpu.memory_space<vmem>>[vector<16xi32>, vector<16xi32>], vector<16xf32>,
        %gather3A_855 = tpu.vector_load_idx %arg18[%add3A_840, %broadcast_in_dim3A_9] : memref<2000x8xf32, #tpu.memory_space<vmem>>[vector<16xi32>, vector<16xi32>], vector<16xf32>,
        %gather3A_856 = tpu.vector_load_idx %arg18[%add3A_840, %broadcast_in_dim3A_11] : memref<2000x8xf32, #tpu.memory_space<vmem>>[vector<16xi32>, vector<16xi32>], vector<16xf32>,
        %mul3A_857 = vector.broadcast %squeeze3A : f32 to vector<16xf32>
        %mul3A_858 = arith.mulf %get3A_844, %mul3A_857 : vector<16xf32>
        %mul3A_859 = vector.broadcast %squeeze3A_58 : f32 to vector<16xf32>
        %mul3A_860 = arith.mulf %get3A_848, %mul3A_859 : vector<16xf32>
        %add3A_861 = arith.addf %mul3A_858, %mul3A_860 : vector<16xf32>
        %mul3A_862 = vector.broadcast %squeeze3A_90 : f32 to vector<16xf32>
        %mul3A_863 = arith.mulf %get3A_852, %mul3A_862 : vector<16xf32>
        %add3A_864 = arith.addf %add3A_861, %mul3A_863 : vector<16xf32>
        %add3A_865 = vector.broadcast %squeeze3A_122 : f32 to vector<16xf32>
        %add3A_866 = arith.addf %add3A_864, %add3A_865 : vector<16xf32>
        %mul3A_867 = arith.mulf %add3A_866, %gather3A_853 : vector<16xf32>
        %mul3A_868 = vector.broadcast %squeeze3A_28 : f32 to vector<16xf32>
        %mul3A_869 = arith.mulf %get3A_844, %mul3A_868 : vector<16xf32>
        %mul3A_870 = vector.broadcast %squeeze3A_60 : f32 to vector<16xf32>
        %mul3A_871 = arith.mulf %get3A_848, %mul3A_870 : vector<16xf32>
        %add3A_872 = arith.addf %mul3A_869, %mul3A_871 : vector<16xf32>
        %mul3A_873 = vector.broadcast %squeeze3A_92 : f32 to vector<16xf32>
        %mul3A_874 = arith.mulf %get3A_852, %mul3A_873 : vector<16xf32>
        %add3A_875 = arith.addf %add3A_872, %mul3A_874 : vector<16xf32>
        %add3A_876 = vector.broadcast %squeeze3A_124 : f32 to vector<16xf32>
        %add3A_877 = arith.addf %add3A_875, %add3A_876 : vector<16xf32>
        %mul3A_878 = arith.mulf %add3A_877, %gather3A_854 : vector<16xf32>
        %add3A_879 = arith.addf %mul3A_867, %mul3A_878 : vector<16xf32>
        %mul3A_880 = vector.broadcast %squeeze3A_30 : f32 to vector<16xf32>
        %mul3A_881 = arith.mulf %get3A_844, %mul3A_880 : vector<16xf32>
        %mul3A_882 = vector.broadcast %squeeze3A_62 : f32 to vector<16xf32>
        %mul3A_883 = arith.mulf %get3A_848, %mul3A_882 : vector<16xf32>
        %add3A_884 = arith.addf %mul3A_881, %mul3A_883 : vector<16xf32>
        %mul3A_885 = vector.broadcast %squeeze3A_94 : f32 to vector<16xf32>
        %mul3A_886 = arith.mulf %get3A_852, %mul3A_885 : vector<16xf32>
        %add3A_887 = arith.addf %add3A_884, %mul3A_886 : vector<16xf32>
        %add3A_888 = vector.broadcast %squeeze3A_126 : f32 to vector<16xf32>
        %add3A_889 = arith.addf %add3A_887, %add3A_888 : vector<16xf32>
        %mul3A_890 = arith.mulf %add3A_889, %gather3A_855 : vector<16xf32>
        %add3A_891 = arith.addf %add3A_879, %mul3A_890 : vector<16xf32>
        %mul3A_892 = vector.broadcast %squeeze3A_32 : f32 to vector<16xf32>
        %mul3A_893 = arith.mulf %get3A_844, %mul3A_892 : vector<16xf32>
        %mul3A_894 = vector.broadcast %squeeze3A_64 : f32 to vector<16xf32>
        %mul3A_895 = arith.mulf %get3A_848, %mul3A_894 : vector<16xf32>
        %add3A_896 = arith.addf %mul3A_893, %mul3A_895 : vector<16xf32>
        %mul3A_897 = vector.broadcast %squeeze3A_96 : f32 to vector<16xf32>
        %mul3A_898 = arith.mulf %get3A_852, %mul3A_897 : vector<16xf32>
        %add3A_899 = arith.addf %add3A_896, %mul3A_898 : vector<16xf32>
        %add3A_900 = vector.broadcast %squeeze3A_128 : f32 to vector<16xf32>
        %add3A_901 = arith.addf %add3A_899, %add3A_900 : vector<16xf32>
        %mul3A_902 = arith.mulf %add3A_901, %gather3A_856 : vector<16xf32>
        %add3A_903 = arith.addf %add3A_891, %mul3A_902 : vector<16xf32>
        tpu.vector_store_idx %arg19[%add3A_840, %broadcast_in_dim3A_5], %add3A_903 : memref<2000x8xf32, #tpu.memory_space<vmem>>[vector<16xi32>, vector<16xi32>], vector<16xf32>,
        %mul3A_904 = vector.broadcast %squeeze3A_34 : f32 to vector<16xf32>
        %mul3A_905 = arith.mulf %get3A_844, %mul3A_904 : vector<16xf32>
        %mul3A_906 = vector.broadcast %squeeze3A_66 : f32 to vector<16xf32>
        %mul3A_907 = arith.mulf %get3A_848, %mul3A_906 : vector<16xf32>
        %add3A_908 = arith.addf %mul3A_905, %mul3A_907 : vector<16xf32>
        %mul3A_909 = vector.broadcast %squeeze3A_98 : f32 to vector<16xf32>
        %mul3A_910 = arith.mulf %get3A_852, %mul3A_909 : vector<16xf32>
        %add3A_911 = arith.addf %add3A_908, %mul3A_910 : vector<16xf32>
        %add3A_912 = vector.broadcast %squeeze3A_130 : f32 to vector<16xf32>
        %add3A_913 = arith.addf %add3A_911, %add3A_912 : vector<16xf32>
        %mul3A_914 = arith.mulf %add3A_913, %gather3A_853 : vector<16xf32>
        %mul3A_915 = vector.broadcast %squeeze3A_36 : f32 to vector<16xf32>
        %mul3A_916 = arith.mulf %get3A_844, %mul3A_915 : vector<16xf32>
        %mul3A_917 = vector.broadcast %squeeze3A_68 : f32 to vector<16xf32>
        %mul3A_918 = arith.mulf %get3A_848, %mul3A_917 : vector<16xf32>
        %add3A_919 = arith.addf %mul3A_916, %mul3A_918 : vector<16xf32>
        %mul3A_920 = vector.broadcast %squeeze3A_100 : f32 to vector<16xf32>
        %mul3A_921 = arith.mulf %get3A_852, %mul3A_920 : vector<16xf32>
        %add3A_922 = arith.addf %add3A_919, %mul3A_921 : vector<16xf32>
        %add3A_923 = vector.broadcast %squeeze3A_132 : f32 to vector<16xf32>
        %add3A_924 = arith.addf %add3A_922, %add3A_923 : vector<16xf32>
        %mul3A_925 = arith.mulf %add3A_924, %gather3A_854 : vector<16xf32>
        %add3A_926 = arith.addf %mul3A_914, %mul3A_925 : vector<16xf32>
        %mul3A_927 = vector.broadcast %squeeze3A_38 : f32 to vector<16xf32>
        %mul3A_928 = arith.mulf %get3A_844, %mul3A_927 : vector<16xf32>
        %mul3A_929 = vector.broadcast %squeeze3A_70 : f32 to vector<16xf32>
        %mul3A_930 = arith.mulf %get3A_848, %mul3A_929 : vector<16xf32>
        %add3A_931 = arith.addf %mul3A_928, %mul3A_930 : vector<16xf32>
        %mul3A_932 = vector.broadcast %squeeze3A_102 : f32 to vector<16xf32>
        %mul3A_933 = arith.mulf %get3A_852, %mul3A_932 : vector<16xf32>
        %add3A_934 = arith.addf %add3A_931, %mul3A_933 : vector<16xf32>
        %add3A_935 = vector.broadcast %squeeze3A_134 : f32 to vector<16xf32>
        %add3A_936 = arith.addf %add3A_934, %add3A_935 : vector<16xf32>
        %mul3A_937 = arith.mulf %add3A_936, %gather3A_855 : vector<16xf32>
        %add3A_938 = arith.addf %add3A_926, %mul3A_937 : vector<16xf32>
        %mul3A_939 = vector.broadcast %squeeze3A_40 : f32 to vector<16xf32>
        %mul3A_940 = arith.mulf %get3A_844, %mul3A_939 : vector<16xf32>
        %mul3A_941 = vector.broadcast %squeeze3A_72 : f32 to vector<16xf32>
        %mul3A_942 = arith.mulf %get3A_848, %mul3A_941 : vector<16xf32>
        %add3A_943 = arith.addf %mul3A_940, %mul3A_942 : vector<16xf32>
        %mul3A_944 = vector.broadcast %squeeze3A_104 : f32 to vector<16xf32>
        %mul3A_945 = arith.mulf %get3A_852, %mul3A_944 : vector<16xf32>
        %add3A_946 = arith.addf %add3A_943, %mul3A_945 : vector<16xf32>
        %add3A_947 = vector.broadcast %squeeze3A_136 : f32 to vector<16xf32>
        %add3A_948 = arith.addf %add3A_946, %add3A_947 : vector<16xf32>
        %mul3A_949 = arith.mulf %add3A_948, %gather3A_856 : vector<16xf32>
        %add3A_950 = arith.addf %add3A_938, %mul3A_949 : vector<16xf32>
        tpu.vector_store_idx %arg19[%add3A_840, %broadcast_in_dim3A_7], %add3A_950 : memref<2000x8xf32, #tpu.memory_space<vmem>>[vector<16xi32>, vector<16xi32>], vector<16xf32>,
        %mul3A_951 = vector.broadcast %squeeze3A_42 : f32 to vector<16xf32>
        %mul3A_952 = arith.mulf %get3A_844, %mul3A_951 : vector<16xf32>
        %mul3A_953 = vector.broadcast %squeeze3A_74 : f32 to vector<16xf32>
        %mul3A_954 = arith.mulf %get3A_848, %mul3A_953 : vector<16xf32>
        %add3A_955 = arith.addf %mul3A_952, %mul3A_954 : vector<16xf32>
        %mul3A_956 = vector.broadcast %squeeze3A_106 : f32 to vector<16xf32>
        %mul3A_957 = arith.mulf %get3A_852, %mul3A_956 : vector<16xf32>
        %add3A_958 = arith.addf %add3A_955, %mul3A_957 : vector<16xf32>
        %add3A_959 = vector.broadcast %squeeze3A_138 : f32 to vector<16xf32>
        %add3A_960 = arith.addf %add3A_958, %add3A_959 : vector<16xf32>
        %mul3A_961 = arith.mulf %add3A_960, %gather3A_853 : vector<16xf32>
        %mul3A_962 = vector.broadcast %squeeze3A_44 : f32 to vector<16xf32>
        %mul3A_963 = arith.mulf %get3A_844, %mul3A_962 : vector<16xf32>
        %mul3A_964 = vector.broadcast %squeeze3A_76 : f32 to vector<16xf32>
        %mul3A_965 = arith.mulf %get3A_848, %mul3A_964 : vector<16xf32>
        %add3A_966 = arith.addf %mul3A_963, %mul3A_965 : vector<16xf32>
        %mul3A_967 = vector.broadcast %squeeze3A_108 : f32 to vector<16xf32>
        %mul3A_968 = arith.mulf %get3A_852, %mul3A_967 : vector<16xf32>
        %add3A_969 = arith.addf %add3A_966, %mul3A_968 : vector<16xf32>
        %add3A_970 = vector.broadcast %squeeze3A_140 : f32 to vector<16xf32>
        %add3A_971 = arith.addf %add3A_969, %add3A_970 : vector<16xf32>
        %mul3A_972 = arith.mulf %add3A_971, %gather3A_854 : vector<16xf32>
        %add3A_973 = arith.addf %mul3A_961, %mul3A_972 : vector<16xf32>
        %mul3A_974 = vector.broadcast %squeeze3A_46 : f32 to vector<16xf32>
        %mul3A_975 = arith.mulf %get3A_844, %mul3A_974 : vector<16xf32>
        %mul3A_976 = vector.broadcast %squeeze3A_78 : f32 to vector<16xf32>
        %mul3A_977 = arith.mulf %get3A_848, %mul3A_976 : vector<16xf32>
        %add3A_978 = arith.addf %mul3A_975, %mul3A_977 : vector<16xf32>
        %mul3A_979 = vector.broadcast %squeeze3A_110 : f32 to vector<16xf32>
        %mul3A_980 = arith.mulf %get3A_852, %mul3A_979 : vector<16xf32>
        %add3A_981 = arith.addf %add3A_978, %mul3A_980 : vector<16xf32>
        %add3A_982 = vector.broadcast %squeeze3A_142 : f32 to vector<16xf32>
        %add3A_983 = arith.addf %add3A_981, %add3A_982 : vector<16xf32>
        %mul3A_984 = arith.mulf %add3A_983, %gather3A_855 : vector<16xf32>
        %add3A_985 = arith.addf %add3A_973, %mul3A_984 : vector<16xf32>
        %mul3A_986 = vector.broadcast %squeeze3A_48 : f32 to vector<16xf32>
        %mul3A_987 = arith.mulf %get3A_844, %mul3A_986 : vector<16xf32>
        %mul3A_988 = vector.broadcast %squeeze3A_80 : f32 to vector<16xf32>
        %mul3A_989 = arith.mulf %get3A_848, %mul3A_988 : vector<16xf32>
        %add3A_990 = arith.addf %mul3A_987, %mul3A_989 : vector<16xf32>
        %mul3A_991 = vector.broadcast %squeeze3A_112 : f32 to vector<16xf32>
        %mul3A_992 = arith.mulf %get3A_852, %mul3A_991 : vector<16xf32>
        %add3A_993 = arith.addf %add3A_990, %mul3A_992 : vector<16xf32>
        %add3A_994 = vector.broadcast %squeeze3A_144 : f32 to vector<16xf32>
        %add3A_995 = arith.addf %add3A_993, %add3A_994 : vector<16xf32>
        %mul3A_996 = arith.mulf %add3A_995, %gather3A_856 : vector<16xf32>
        %add3A_997 = arith.addf %add3A_985, %mul3A_996 : vector<16xf32>
        tpu.vector_store_idx %arg19[%add3A_840, %broadcast_in_dim3A_9], %add3A_997 : memref<2000x8xf32, #tpu.memory_space<vmem>>[vector<16xi32>, vector<16xi32>], vector<16xf32>,
        %mul3A_998 = vector.broadcast %squeeze3A_50 : f32 to vector<16xf32>
        %mul3A_999 = arith.mulf %get3A_844, %mul3A_998 : vector<16xf32>
        %mul3A_1000 = vector.broadcast %squeeze3A_82 : f32 to vector<16xf32>
        %mul3A_1001 = arith.mulf %get3A_848, %mul3A_1000 : vector<16xf32>
        %add3A_1002 = arith.addf %mul3A_999, %mul3A_1001 : vector<16xf32>
        %mul3A_1003 = vector.broadcast %squeeze3A_114 : f32 to vector<16xf32>
        %mul3A_1004 = arith.mulf %get3A_852, %mul3A_1003 : vector<16xf32>
        %add3A_1005 = arith.addf %add3A_1002, %mul3A_1004 : vector<16xf32>
        %add3A_1006 = vector.broadcast %squeeze3A_146 : f32 to vector<16xf32>
        %add3A_1007 = arith.addf %add3A_1005, %add3A_1006 : vector<16xf32>
        %mul3A_1008 = arith.mulf %add3A_1007, %gather3A_853 : vector<16xf32>
        %mul3A_1009 = vector.broadcast %squeeze3A_52 : f32 to vector<16xf32>
        %mul3A_1010 = arith.mulf %get3A_844, %mul3A_1009 : vector<16xf32>
        %mul3A_1011 = vector.broadcast %squeeze3A_84 : f32 to vector<16xf32>
        %mul3A_1012 = arith.mulf %get3A_848, %mul3A_1011 : vector<16xf32>
        %add3A_1013 = arith.addf %mul3A_1010, %mul3A_1012 : vector<16xf32>
        %mul3A_1014 = vector.broadcast %squeeze3A_116 : f32 to vector<16xf32>
        %mul3A_1015 = arith.mulf %get3A_852, %mul3A_1014 : vector<16xf32>
        %add3A_1016 = arith.addf %add3A_1013, %mul3A_1015 : vector<16xf32>
        %add3A_1017 = vector.broadcast %squeeze3A_148 : f32 to vector<16xf32>
        %add3A_1018 = arith.addf %add3A_1016, %add3A_1017 : vector<16xf32>
        %mul3A_1019 = arith.mulf %add3A_1018, %gather3A_854 : vector<16xf32>
        %add3A_1020 = arith.addf %mul3A_1008, %mul3A_1019 : vector<16xf32>
        %mul3A_1021 = vector.broadcast %squeeze3A_54 : f32 to vector<16xf32>
        %mul3A_1022 = arith.mulf %get3A_844, %mul3A_1021 : vector<16xf32>
        %mul3A_1023 = vector.broadcast %squeeze3A_86 : f32 to vector<16xf32>
        %mul3A_1024 = arith.mulf %get3A_848, %mul3A_1023 : vector<16xf32>
        %add3A_1025 = arith.addf %mul3A_1022, %mul3A_1024 : vector<16xf32>
        %mul3A_1026 = vector.broadcast %squeeze3A_118 : f32 to vector<16xf32>
        %mul3A_1027 = arith.mulf %get3A_852, %mul3A_1026 : vector<16xf32>
        %add3A_1028 = arith.addf %add3A_1025, %mul3A_1027 : vector<16xf32>
        %add3A_1029 = vector.broadcast %squeeze3A_150 : f32 to vector<16xf32>
        %add3A_1030 = arith.addf %add3A_1028, %add3A_1029 : vector<16xf32>
        %mul3A_1031 = arith.mulf %add3A_1030, %gather3A_855 : vector<16xf32>
        %add3A_1032 = arith.addf %add3A_1020, %mul3A_1031 : vector<16xf32>
        %mul3A_1033 = vector.broadcast %squeeze3A_56 : f32 to vector<16xf32>
        %mul3A_1034 = arith.mulf %get3A_844, %mul3A_1033 : vector<16xf32>
        %mul3A_1035 = vector.broadcast %squeeze3A_88 : f32 to vector<16xf32>
        %mul3A_1036 = arith.mulf %get3A_848, %mul3A_1035 : vector<16xf32>
        %add3A_1037 = arith.addf %mul3A_1034, %mul3A_1036 : vector<16xf32>
        %mul3A_1038 = vector.broadcast %squeeze3A_120 : f32 to vector<16xf32>
        %mul3A_1039 = arith.mulf %get3A_852, %mul3A_1038 : vector<16xf32>
        %add3A_1040 = arith.addf %add3A_1037, %mul3A_1039 : vector<16xf32>
        %add3A_1041 = vector.broadcast %squeeze3A_152 : f32 to vector<16xf32>
        %add3A_1042 = arith.addf %add3A_1040, %add3A_1041 : vector<16xf32>
        %mul3A_1043 = arith.mulf %add3A_1042, %gather3A_856 : vector<16xf32>
        %add3A_1044 = arith.addf %add3A_1032, %mul3A_1043 : vector<16xf32>
        tpu.vector_store_idx %arg19[%add3A_840, %broadcast_in_dim3A_11], %add3A_1044 : memref<2000x8xf32, #tpu.memory_space<vmem>>[vector<16xi32>, vector<16xi32>], vector<16xf32>,
        %scan3A_1045 = arith.constant 0 : i32
        %scan3A_1046 = arith.constant 3 : i32
        %scan3A_1047 = arith.addi %scan3A_413, %scan3A_1046 : i32
        %mul3A_1048 = arith.constant 16 : i32
        %mul3A_1049 = arith.muli %scan3A_1047, %mul3A_1048 : i32
        %add3A_1050 = vector.broadcast %mul3A_1049 : i32 to vector<16xi32>
        %add3A_1051 = arith.addi %iota3A, %add3A_1050 : vector<16xi32>
        %mul3A_1052 = arith.constant 16 : i32
        %mul3A_1053 = arith.muli %scan3A_1047, %mul3A_1052 : i32
        %get3A_1054 = arith.index_cast %mul3A_1053 : i32 to index
        %get3A_1055 = tpu.vector_load %arg13[%get3A_1054] {strides = array<i32>} : memref<2000xf32, #tpu.memory_space<vmem>>, vector<16xf32>,
        %mul3A_1056 = arith.constant 16 : i32
        %mul3A_1057 = arith.muli %scan3A_1047, %mul3A_1056 : i32
        %get3A_1058 = arith.index_cast %mul3A_1057 : i32 to index
        %get3A_1059 = tpu.vector_load %arg14[%get3A_1058] {strides = array<i32>} : memref<2000xf32, #tpu.memory_space<vmem>>, vector<16xf32>,
        %mul3A_1060 = arith.constant 16 : i32
        %mul3A_1061 = arith.muli %scan3A_1047, %mul3A_1060 : i32
        %get3A_1062 = arith.index_cast %mul3A_1061 : i32 to index
        %get3A_1063 = tpu.vector_load %arg15[%get3A_1062] {strides = array<i32>} : memref<2000xf32, #tpu.memory_space<vmem>>, vector<16xf32>,
        %gather3A_1064 = tpu.vector_load_idx %arg18[%add3A_1051, %broadcast_in_dim3A_5] : memref<2000x8xf32, #tpu.memory_space<vmem>>[vector<16xi32>, vector<16xi32>], vector<16xf32>,
        %gather3A_1065 = tpu.vector_load_idx %arg18[%add3A_1051, %broadcast_in_dim3A_7] : memref<2000x8xf32, #tpu.memory_space<vmem>>[vector<16xi32>, vector<16xi32>], vector<16xf32>,
        %gather3A_1066 = tpu.vector_load_idx %arg18[%add3A_1051, %broadcast_in_dim3A_9] : memref<2000x8xf32, #tpu.memory_space<vmem>>[vector<16xi32>, vector<16xi32>], vector<16xf32>,
        %gather3A_1067 = tpu.vector_load_idx %arg18[%add3A_1051, %broadcast_in_dim3A_11] : memref<2000x8xf32, #tpu.memory_space<vmem>>[vector<16xi32>, vector<16xi32>], vector<16xf32>,
        %mul3A_1068 = vector.broadcast %squeeze3A : f32 to vector<16xf32>
        %mul3A_1069 = arith.mulf %get3A_1055, %mul3A_1068 : vector<16xf32>
        %mul3A_1070 = vector.broadcast %squeeze3A_58 : f32 to vector<16xf32>
        %mul3A_1071 = arith.mulf %get3A_1059, %mul3A_1070 : vector<16xf32>
        %add3A_1072 = arith.addf %mul3A_1069, %mul3A_1071 : vector<16xf32>
        %mul3A_1073 = vector.broadcast %squeeze3A_90 : f32 to vector<16xf32>
        %mul3A_1074 = arith.mulf %get3A_1063, %mul3A_1073 : vector<16xf32>
        %add3A_1075 = arith.addf %add3A_1072, %mul3A_1074 : vector<16xf32>
        %add3A_1076 = vector.broadcast %squeeze3A_122 : f32 to vector<16xf32>
        %add3A_1077 = arith.addf %add3A_1075, %add3A_1076 : vector<16xf32>
        %mul3A_1078 = arith.mulf %add3A_1077, %gather3A_1064 : vector<16xf32>
        %mul3A_1079 = vector.broadcast %squeeze3A_28 : f32 to vector<16xf32>
        %mul3A_1080 = arith.mulf %get3A_1055, %mul3A_1079 : vector<16xf32>
        %mul3A_1081 = vector.broadcast %squeeze3A_60 : f32 to vector<16xf32>
        %mul3A_1082 = arith.mulf %get3A_1059, %mul3A_1081 : vector<16xf32>
        %add3A_1083 = arith.addf %mul3A_1080, %mul3A_1082 : vector<16xf32>
        %mul3A_1084 = vector.broadcast %squeeze3A_92 : f32 to vector<16xf32>
        %mul3A_1085 = arith.mulf %get3A_1063, %mul3A_1084 : vector<16xf32>
        %add3A_1086 = arith.addf %add3A_1083, %mul3A_1085 : vector<16xf32>
        %add3A_1087 = vector.broadcast %squeeze3A_124 : f32 to vector<16xf32>
        %add3A_1088 = arith.addf %add3A_1086, %add3A_1087 : vector<16xf32>
        %mul3A_1089 = arith.mulf %add3A_1088, %gather3A_1065 : vector<16xf32>
        %add3A_1090 = arith.addf %mul3A_1078, %mul3A_1089 : vector<16xf32>
        %mul3A_1091 = vector.broadcast %squeeze3A_30 : f32 to vector<16xf32>
        %mul3A_1092 = arith.mulf %get3A_1055, %mul3A_1091 : vector<16xf32>
        %mul3A_1093 = vector.broadcast %squeeze3A_62 : f32 to vector<16xf32>
        %mul3A_1094 = arith.mulf %get3A_1059, %mul3A_1093 : vector<16xf32>
        %add3A_1095 = arith.addf %mul3A_1092, %mul3A_1094 : vector<16xf32>
        %mul3A_1096 = vector.broadcast %squeeze3A_94 : f32 to vector<16xf32>
        %mul3A_1097 = arith.mulf %get3A_1063, %mul3A_1096 : vector<16xf32>
        %add3A_1098 = arith.addf %add3A_1095, %mul3A_1097 : vector<16xf32>
        %add3A_1099 = vector.broadcast %squeeze3A_126 : f32 to vector<16xf32>
        %add3A_1100 = arith.addf %add3A_1098, %add3A_1099 : vector<16xf32>
        %mul3A_1101 = arith.mulf %add3A_1100, %gather3A_1066 : vector<16xf32>
        %add3A_1102 = arith.addf %add3A_1090, %mul3A_1101 : vector<16xf32>
        %mul3A_1103 = vector.broadcast %squeeze3A_32 : f32 to vector<16xf32>
        %mul3A_1104 = arith.mulf %get3A_1055, %mul3A_1103 : vector<16xf32>
        %mul3A_1105 = vector.broadcast %squeeze3A_64 : f32 to vector<16xf32>
        %mul3A_1106 = arith.mulf %get3A_1059, %mul3A_1105 : vector<16xf32>
        %add3A_1107 = arith.addf %mul3A_1104, %mul3A_1106 : vector<16xf32>
        %mul3A_1108 = vector.broadcast %squeeze3A_96 : f32 to vector<16xf32>
        %mul3A_1109 = arith.mulf %get3A_1063, %mul3A_1108 : vector<16xf32>
        %add3A_1110 = arith.addf %add3A_1107, %mul3A_1109 : vector<16xf32>
        %add3A_1111 = vector.broadcast %squeeze3A_128 : f32 to vector<16xf32>
        %add3A_1112 = arith.addf %add3A_1110, %add3A_1111 : vector<16xf32>
        %mul3A_1113 = arith.mulf %add3A_1112, %gather3A_1067 : vector<16xf32>
        %add3A_1114 = arith.addf %add3A_1102, %mul3A_1113 : vector<16xf32>
        tpu.vector_store_idx %arg19[%add3A_1051, %broadcast_in_dim3A_5], %add3A_1114 : memref<2000x8xf32, #tpu.memory_space<vmem>>[vector<16xi32>, vector<16xi32>], vector<16xf32>,
        %mul3A_1115 = vector.broadcast %squeeze3A_34 : f32 to vector<16xf32>
        %mul3A_1116 = arith.mulf %get3A_1055, %mul3A_1115 : vector<16xf32>
        %mul3A_1117 = vector.broadcast %squeeze3A_66 : f32 to vector<16xf32>
        %mul3A_1118 = arith.mulf %get3A_1059, %mul3A_1117 : vector<16xf32>
        %add3A_1119 = arith.addf %mul3A_1116, %mul3A_1118 : vector<16xf32>
        %mul3A_1120 = vector.broadcast %squeeze3A_98 : f32 to vector<16xf32>
        %mul3A_1121 = arith.mulf %get3A_1063, %mul3A_1120 : vector<16xf32>
        %add3A_1122 = arith.addf %add3A_1119, %mul3A_1121 : vector<16xf32>
        %add3A_1123 = vector.broadcast %squeeze3A_130 : f32 to vector<16xf32>
        %add3A_1124 = arith.addf %add3A_1122, %add3A_1123 : vector<16xf32>
        %mul3A_1125 = arith.mulf %add3A_1124, %gather3A_1064 : vector<16xf32>
        %mul3A_1126 = vector.broadcast %squeeze3A_36 : f32 to vector<16xf32>
        %mul3A_1127 = arith.mulf %get3A_1055, %mul3A_1126 : vector<16xf32>
        %mul3A_1128 = vector.broadcast %squeeze3A_68 : f32 to vector<16xf32>
        %mul3A_1129 = arith.mulf %get3A_1059, %mul3A_1128 : vector<16xf32>
        %add3A_1130 = arith.addf %mul3A_1127, %mul3A_1129 : vector<16xf32>
        %mul3A_1131 = vector.broadcast %squeeze3A_100 : f32 to vector<16xf32>
        %mul3A_1132 = arith.mulf %get3A_1063, %mul3A_1131 : vector<16xf32>
        %add3A_1133 = arith.addf %add3A_1130, %mul3A_1132 : vector<16xf32>
        %add3A_1134 = vector.broadcast %squeeze3A_132 : f32 to vector<16xf32>
        %add3A_1135 = arith.addf %add3A_1133, %add3A_1134 : vector<16xf32>
        %mul3A_1136 = arith.mulf %add3A_1135, %gather3A_1065 : vector<16xf32>
        %add3A_1137 = arith.addf %mul3A_1125, %mul3A_1136 : vector<16xf32>
        %mul3A_1138 = vector.broadcast %squeeze3A_38 : f32 to vector<16xf32>
        %mul3A_1139 = arith.mulf %get3A_1055, %mul3A_1138 : vector<16xf32>
        %mul3A_1140 = vector.broadcast %squeeze3A_70 : f32 to vector<16xf32>
        %mul3A_1141 = arith.mulf %get3A_1059, %mul3A_1140 : vector<16xf32>
        %add3A_1142 = arith.addf %mul3A_1139, %mul3A_1141 : vector<16xf32>
        %mul3A_1143 = vector.broadcast %squeeze3A_102 : f32 to vector<16xf32>
        %mul3A_1144 = arith.mulf %get3A_1063, %mul3A_1143 : vector<16xf32>
        %add3A_1145 = arith.addf %add3A_1142, %mul3A_1144 : vector<16xf32>
        %add3A_1146 = vector.broadcast %squeeze3A_134 : f32 to vector<16xf32>
        %add3A_1147 = arith.addf %add3A_1145, %add3A_1146 : vector<16xf32>
        %mul3A_1148 = arith.mulf %add3A_1147, %gather3A_1066 : vector<16xf32>
        %add3A_1149 = arith.addf %add3A_1137, %mul3A_1148 : vector<16xf32>
        %mul3A_1150 = vector.broadcast %squeeze3A_40 : f32 to vector<16xf32>
        %mul3A_1151 = arith.mulf %get3A_1055, %mul3A_1150 : vector<16xf32>
        %mul3A_1152 = vector.broadcast %squeeze3A_72 : f32 to vector<16xf32>
        %mul3A_1153 = arith.mulf %get3A_1059, %mul3A_1152 : vector<16xf32>
        %add3A_1154 = arith.addf %mul3A_1151, %mul3A_1153 : vector<16xf32>
        %mul3A_1155 = vector.broadcast %squeeze3A_104 : f32 to vector<16xf32>
        %mul3A_1156 = arith.mulf %get3A_1063, %mul3A_1155 : vector<16xf32>
        %add3A_1157 = arith.addf %add3A_1154, %mul3A_1156 : vector<16xf32>
        %add3A_1158 = vector.broadcast %squeeze3A_136 : f32 to vector<16xf32>
        %add3A_1159 = arith.addf %add3A_1157, %add3A_1158 : vector<16xf32>
        %mul3A_1160 = arith.mulf %add3A_1159, %gather3A_1067 : vector<16xf32>
        %add3A_1161 = arith.addf %add3A_1149, %mul3A_1160 : vector<16xf32>
        tpu.vector_store_idx %arg19[%add3A_1051, %broadcast_in_dim3A_7], %add3A_1161 : memref<2000x8xf32, #tpu.memory_space<vmem>>[vector<16xi32>, vector<16xi32>], vector<16xf32>,
        %mul3A_1162 = vector.broadcast %squeeze3A_42 : f32 to vector<16xf32>
        %mul3A_1163 = arith.mulf %get3A_1055, %mul3A_1162 : vector<16xf32>
        %mul3A_1164 = vector.broadcast %squeeze3A_74 : f32 to vector<16xf32>
        %mul3A_1165 = arith.mulf %get3A_1059, %mul3A_1164 : vector<16xf32>
        %add3A_1166 = arith.addf %mul3A_1163, %mul3A_1165 : vector<16xf32>
        %mul3A_1167 = vector.broadcast %squeeze3A_106 : f32 to vector<16xf32>
        %mul3A_1168 = arith.mulf %get3A_1063, %mul3A_1167 : vector<16xf32>
        %add3A_1169 = arith.addf %add3A_1166, %mul3A_1168 : vector<16xf32>
        %add3A_1170 = vector.broadcast %squeeze3A_138 : f32 to vector<16xf32>
        %add3A_1171 = arith.addf %add3A_1169, %add3A_1170 : vector<16xf32>
        %mul3A_1172 = arith.mulf %add3A_1171, %gather3A_1064 : vector<16xf32>
        %mul3A_1173 = vector.broadcast %squeeze3A_44 : f32 to vector<16xf32>
        %mul3A_1174 = arith.mulf %get3A_1055, %mul3A_1173 : vector<16xf32>
        %mul3A_1175 = vector.broadcast %squeeze3A_76 : f32 to vector<16xf32>
        %mul3A_1176 = arith.mulf %get3A_1059, %mul3A_1175 : vector<16xf32>
        %add3A_1177 = arith.addf %mul3A_1174, %mul3A_1176 : vector<16xf32>
        %mul3A_1178 = vector.broadcast %squeeze3A_108 : f32 to vector<16xf32>
        %mul3A_1179 = arith.mulf %get3A_1063, %mul3A_1178 : vector<16xf32>
        %add3A_1180 = arith.addf %add3A_1177, %mul3A_1179 : vector<16xf32>
        %add3A_1181 = vector.broadcast %squeeze3A_140 : f32 to vector<16xf32>
        %add3A_1182 = arith.addf %add3A_1180, %add3A_1181 : vector<16xf32>
        %mul3A_1183 = arith.mulf %add3A_1182, %gather3A_1065 : vector<16xf32>
        %add3A_1184 = arith.addf %mul3A_1172, %mul3A_1183 : vector<16xf32>
        %mul3A_1185 = vector.broadcast %squeeze3A_46 : f32 to vector<16xf32>
        %mul3A_1186 = arith.mulf %get3A_1055, %mul3A_1185 : vector<16xf32>
        %mul3A_1187 = vector.broadcast %squeeze3A_78 : f32 to vector<16xf32>
        %mul3A_1188 = arith.mulf %get3A_1059, %mul3A_1187 : vector<16xf32>
        %add3A_1189 = arith.addf %mul3A_1186, %mul3A_1188 : vector<16xf32>
        %mul3A_1190 = vector.broadcast %squeeze3A_110 : f32 to vector<16xf32>
        %mul3A_1191 = arith.mulf %get3A_1063, %mul3A_1190 : vector<16xf32>
        %add3A_1192 = arith.addf %add3A_1189, %mul3A_1191 : vector<16xf32>
        %add3A_1193 = vector.broadcast %squeeze3A_142 : f32 to vector<16xf32>
        %add3A_1194 = arith.addf %add3A_1192, %add3A_1193 : vector<16xf32>
        %mul3A_1195 = arith.mulf %add3A_1194, %gather3A_1066 : vector<16xf32>
        %add3A_1196 = arith.addf %add3A_1184, %mul3A_1195 : vector<16xf32>
        %mul3A_1197 = vector.broadcast %squeeze3A_48 : f32 to vector<16xf32>
        %mul3A_1198 = arith.mulf %get3A_1055, %mul3A_1197 : vector<16xf32>
        %mul3A_1199 = vector.broadcast %squeeze3A_80 : f32 to vector<16xf32>
        %mul3A_1200 = arith.mulf %get3A_1059, %mul3A_1199 : vector<16xf32>
        %add3A_1201 = arith.addf %mul3A_1198, %mul3A_1200 : vector<16xf32>
        %mul3A_1202 = vector.broadcast %squeeze3A_112 : f32 to vector<16xf32>
        %mul3A_1203 = arith.mulf %get3A_1063, %mul3A_1202 : vector<16xf32>
        %add3A_1204 = arith.addf %add3A_1201, %mul3A_1203 : vector<16xf32>
        %add3A_1205 = vector.broadcast %squeeze3A_144 : f32 to vector<16xf32>
        %add3A_1206 = arith.addf %add3A_1204, %add3A_1205 : vector<16xf32>
        %mul3A_1207 = arith.mulf %add3A_1206, %gather3A_1067 : vector<16xf32>
        %add3A_1208 = arith.addf %add3A_1196, %mul3A_1207 : vector<16xf32>
        tpu.vector_store_idx %arg19[%add3A_1051, %broadcast_in_dim3A_9], %add3A_1208 : memref<2000x8xf32, #tpu.memory_space<vmem>>[vector<16xi32>, vector<16xi32>], vector<16xf32>,
        %mul3A_1209 = vector.broadcast %squeeze3A_50 : f32 to vector<16xf32>
        %mul3A_1210 = arith.mulf %get3A_1055, %mul3A_1209 : vector<16xf32>
        %mul3A_1211 = vector.broadcast %squeeze3A_82 : f32 to vector<16xf32>
        %mul3A_1212 = arith.mulf %get3A_1059, %mul3A_1211 : vector<16xf32>
        %add3A_1213 = arith.addf %mul3A_1210, %mul3A_1212 : vector<16xf32>
        %mul3A_1214 = vector.broadcast %squeeze3A_114 : f32 to vector<16xf32>
        %mul3A_1215 = arith.mulf %get3A_1063, %mul3A_1214 : vector<16xf32>
        %add3A_1216 = arith.addf %add3A_1213, %mul3A_1215 : vector<16xf32>
        %add3A_1217 = vector.broadcast %squeeze3A_146 : f32 to vector<16xf32>
        %add3A_1218 = arith.addf %add3A_1216, %add3A_1217 : vector<16xf32>
        %mul3A_1219 = arith.mulf %add3A_1218, %gather3A_1064 : vector<16xf32>
        %mul3A_1220 = vector.broadcast %squeeze3A_52 : f32 to vector<16xf32>
        %mul3A_1221 = arith.mulf %get3A_1055, %mul3A_1220 : vector<16xf32>
        %mul3A_1222 = vector.broadcast %squeeze3A_84 : f32 to vector<16xf32>
        %mul3A_1223 = arith.mulf %get3A_1059, %mul3A_1222 : vector<16xf32>
        %add3A_1224 = arith.addf %mul3A_1221, %mul3A_1223 : vector<16xf32>
        %mul3A_1225 = vector.broadcast %squeeze3A_116 : f32 to vector<16xf32>
        %mul3A_1226 = arith.mulf %get3A_1063, %mul3A_1225 : vector<16xf32>
        %add3A_1227 = arith.addf %add3A_1224, %mul3A_1226 : vector<16xf32>
        %add3A_1228 = vector.broadcast %squeeze3A_148 : f32 to vector<16xf32>
        %add3A_1229 = arith.addf %add3A_1227, %add3A_1228 : vector<16xf32>
        %mul3A_1230 = arith.mulf %add3A_1229, %gather3A_1065 : vector<16xf32>
        %add3A_1231 = arith.addf %mul3A_1219, %mul3A_1230 : vector<16xf32>
        %mul3A_1232 = vector.broadcast %squeeze3A_54 : f32 to vector<16xf32>
        %mul3A_1233 = arith.mulf %get3A_1055, %mul3A_1232 : vector<16xf32>
        %mul3A_1234 = vector.broadcast %squeeze3A_86 : f32 to vector<16xf32>
        %mul3A_1235 = arith.mulf %get3A_1059, %mul3A_1234 : vector<16xf32>
        %add3A_1236 = arith.addf %mul3A_1233, %mul3A_1235 : vector<16xf32>
        %mul3A_1237 = vector.broadcast %squeeze3A_118 : f32 to vector<16xf32>
        %mul3A_1238 = arith.mulf %get3A_1063, %mul3A_1237 : vector<16xf32>
        %add3A_1239 = arith.addf %add3A_1236, %mul3A_1238 : vector<16xf32>
        %add3A_1240 = vector.broadcast %squeeze3A_150 : f32 to vector<16xf32>
        %add3A_1241 = arith.addf %add3A_1239, %add3A_1240 : vector<16xf32>
        %mul3A_1242 = arith.mulf %add3A_1241, %gather3A_1066 : vector<16xf32>
        %add3A_1243 = arith.addf %add3A_1231, %mul3A_1242 : vector<16xf32>
        %mul3A_1244 = vector.broadcast %squeeze3A_56 : f32 to vector<16xf32>
        %mul3A_1245 = arith.mulf %get3A_1055, %mul3A_1244 : vector<16xf32>
        %mul3A_1246 = vector.broadcast %squeeze3A_88 : f32 to vector<16xf32>
        %mul3A_1247 = arith.mulf %get3A_1059, %mul3A_1246 : vector<16xf32>
        %add3A_1248 = arith.addf %mul3A_1245, %mul3A_1247 : vector<16xf32>
        %mul3A_1249 = vector.broadcast %squeeze3A_120 : f32 to vector<16xf32>
        %mul3A_1250 = arith.mulf %get3A_1063, %mul3A_1249 : vector<16xf32>
        %add3A_1251 = arith.addf %add3A_1248, %mul3A_1250 : vector<16xf32>
        %add3A_1252 = vector.broadcast %squeeze3A_152 : f32 to vector<16xf32>
        %add3A_1253 = arith.addf %add3A_1251, %add3A_1252 : vector<16xf32>
        %mul3A_1254 = arith.mulf %add3A_1253, %gather3A_1067 : vector<16xf32>
        %add3A_1255 = arith.addf %add3A_1243, %mul3A_1254 : vector<16xf32>
        tpu.vector_store_idx %arg19[%add3A_1051, %broadcast_in_dim3A_11], %add3A_1255 : memref<2000x8xf32, #tpu.memory_space<vmem>>[vector<16xi32>, vector<16xi32>], vector<16xf32>,
        %scan3A_1256 = arith.constant 0 : i32
        scf.yield %scan3A_1256 : i32
      }
      %scan3A_201 = arith.constant 124 : i32
      %scan3A_202 = arith.addi %scan3A_196, %scan3A_201 : i32
      %mul3A_203 = arith.constant 16 : i32
      %mul3A_204 = arith.muli %scan3A_202, %mul3A_203 : i32
      %add3A_205 = vector.broadcast %mul3A_204 : i32 to vector<16xi32>
      %add3A_206 = arith.addi %iota3A, %add3A_205 : vector<16xi32>
      %mul3A_207 = arith.constant 16 : i32
      %mul3A_208 = arith.muli %scan3A_202, %mul3A_207 : i32
      %get3A_209 = arith.index_cast %mul3A_208 : i32 to index
      %get3A_210 = tpu.vector_load %arg13[%get3A_209] {strides = array<i32>} : memref<2000xf32, #tpu.memory_space<vmem>>, vector<16xf32>,
      %mul3A_211 = arith.constant 16 : i32
      %mul3A_212 = arith.muli %scan3A_202, %mul3A_211 : i32
      %get3A_213 = arith.index_cast %mul3A_212 : i32 to index
      %get3A_214 = tpu.vector_load %arg14[%get3A_213] {strides = array<i32>} : memref<2000xf32, #tpu.memory_space<vmem>>, vector<16xf32>,
      %mul3A_215 = arith.constant 16 : i32
      %mul3A_216 = arith.muli %scan3A_202, %mul3A_215 : i32
      %get3A_217 = arith.index_cast %mul3A_216 : i32 to index
      %get3A_218 = tpu.vector_load %arg15[%get3A_217] {strides = array<i32>} : memref<2000xf32, #tpu.memory_space<vmem>>, vector<16xf32>,
      %gather3A = tpu.vector_load_idx %arg18[%add3A_206, %broadcast_in_dim3A_5] : memref<2000x8xf32, #tpu.memory_space<vmem>>[vector<16xi32>, vector<16xi32>], vector<16xf32>,
      %gather3A_219 = tpu.vector_load_idx %arg18[%add3A_206, %broadcast_in_dim3A_7] : memref<2000x8xf32, #tpu.memory_space<vmem>>[vector<16xi32>, vector<16xi32>], vector<16xf32>,
      %gather3A_220 = tpu.vector_load_idx %arg18[%add3A_206, %broadcast_in_dim3A_9] : memref<2000x8xf32, #tpu.memory_space<vmem>>[vector<16xi32>, vector<16xi32>], vector<16xf32>,
      %gather3A_221 = tpu.vector_load_idx %arg18[%add3A_206, %broadcast_in_dim3A_11] : memref<2000x8xf32, #tpu.memory_space<vmem>>[vector<16xi32>, vector<16xi32>], vector<16xf32>,
      %mul3A_222 = vector.broadcast %squeeze3A : f32 to vector<16xf32>
      %mul3A_223 = arith.mulf %get3A_210, %mul3A_222 : vector<16xf32>
      %mul3A_224 = vector.broadcast %squeeze3A_58 : f32 to vector<16xf32>
      %mul3A_225 = arith.mulf %get3A_214, %mul3A_224 : vector<16xf32>
      %add3A_226 = arith.addf %mul3A_223, %mul3A_225 : vector<16xf32>
      %mul3A_227 = vector.broadcast %squeeze3A_90 : f32 to vector<16xf32>
      %mul3A_228 = arith.mulf %get3A_218, %mul3A_227 : vector<16xf32>
      %add3A_229 = arith.addf %add3A_226, %mul3A_228 : vector<16xf32>
      %add3A_230 = vector.broadcast %squeeze3A_122 : f32 to vector<16xf32>
      %add3A_231 = arith.addf %add3A_229, %add3A_230 : vector<16xf32>
      %mul3A_232 = arith.mulf %add3A_231, %gather3A : vector<16xf32>
      %mul3A_233 = vector.broadcast %squeeze3A_28 : f32 to vector<16xf32>
      %mul3A_234 = arith.mulf %get3A_210, %mul3A_233 : vector<16xf32>
      %mul3A_235 = vector.broadcast %squeeze3A_60 : f32 to vector<16xf32>
      %mul3A_236 = arith.mulf %get3A_214, %mul3A_235 : vector<16xf32>
      %add3A_237 = arith.addf %mul3A_234, %mul3A_236 : vector<16xf32>
      %mul3A_238 = vector.broadcast %squeeze3A_92 : f32 to vector<16xf32>
      %mul3A_239 = arith.mulf %get3A_218, %mul3A_238 : vector<16xf32>
      %add3A_240 = arith.addf %add3A_237, %mul3A_239 : vector<16xf32>
      %add3A_241 = vector.broadcast %squeeze3A_124 : f32 to vector<16xf32>
      %add3A_242 = arith.addf %add3A_240, %add3A_241 : vector<16xf32>
      %mul3A_243 = arith.mulf %add3A_242, %gather3A_219 : vector<16xf32>
      %add3A_244 = arith.addf %mul3A_232, %mul3A_243 : vector<16xf32>
      %mul3A_245 = vector.broadcast %squeeze3A_30 : f32 to vector<16xf32>
      %mul3A_246 = arith.mulf %get3A_210, %mul3A_245 : vector<16xf32>
      %mul3A_247 = vector.broadcast %squeeze3A_62 : f32 to vector<16xf32>
      %mul3A_248 = arith.mulf %get3A_214, %mul3A_247 : vector<16xf32>
      %add3A_249 = arith.addf %mul3A_246, %mul3A_248 : vector<16xf32>
      %mul3A_250 = vector.broadcast %squeeze3A_94 : f32 to vector<16xf32>
      %mul3A_251 = arith.mulf %get3A_218, %mul3A_250 : vector<16xf32>
      %add3A_252 = arith.addf %add3A_249, %mul3A_251 : vector<16xf32>
      %add3A_253 = vector.broadcast %squeeze3A_126 : f32 to vector<16xf32>
      %add3A_254 = arith.addf %add3A_252, %add3A_253 : vector<16xf32>
      %mul3A_255 = arith.mulf %add3A_254, %gather3A_220 : vector<16xf32>
      %add3A_256 = arith.addf %add3A_244, %mul3A_255 : vector<16xf32>
      %mul3A_257 = vector.broadcast %squeeze3A_32 : f32 to vector<16xf32>
      %mul3A_258 = arith.mulf %get3A_210, %mul3A_257 : vector<16xf32>
      %mul3A_259 = vector.broadcast %squeeze3A_64 : f32 to vector<16xf32>
      %mul3A_260 = arith.mulf %get3A_214, %mul3A_259 : vector<16xf32>
      %add3A_261 = arith.addf %mul3A_258, %mul3A_260 : vector<16xf32>
      %mul3A_262 = vector.broadcast %squeeze3A_96 : f32 to vector<16xf32>
      %mul3A_263 = arith.mulf %get3A_218, %mul3A_262 : vector<16xf32>
      %add3A_264 = arith.addf %add3A_261, %mul3A_263 : vector<16xf32>
      %add3A_265 = vector.broadcast %squeeze3A_128 : f32 to vector<16xf32>
      %add3A_266 = arith.addf %add3A_264, %add3A_265 : vector<16xf32>
      %mul3A_267 = arith.mulf %add3A_266, %gather3A_221 : vector<16xf32>
      %add3A_268 = arith.addf %add3A_256, %mul3A_267 : vector<16xf32>
      tpu.vector_store_idx %arg19[%add3A_206, %broadcast_in_dim3A_5], %add3A_268 : memref<2000x8xf32, #tpu.memory_space<vmem>>[vector<16xi32>, vector<16xi32>], vector<16xf32>,
      %mul3A_269 = vector.broadcast %squeeze3A_34 : f32 to vector<16xf32>
      %mul3A_270 = arith.mulf %get3A_210, %mul3A_269 : vector<16xf32>
      %mul3A_271 = vector.broadcast %squeeze3A_66 : f32 to vector<16xf32>
      %mul3A_272 = arith.mulf %get3A_214, %mul3A_271 : vector<16xf32>
      %add3A_273 = arith.addf %mul3A_270, %mul3A_272 : vector<16xf32>
      %mul3A_274 = vector.broadcast %squeeze3A_98 : f32 to vector<16xf32>
      %mul3A_275 = arith.mulf %get3A_218, %mul3A_274 : vector<16xf32>
      %add3A_276 = arith.addf %add3A_273, %mul3A_275 : vector<16xf32>
      %add3A_277 = vector.broadcast %squeeze3A_130 : f32 to vector<16xf32>
      %add3A_278 = arith.addf %add3A_276, %add3A_277 : vector<16xf32>
      %mul3A_279 = arith.mulf %add3A_278, %gather3A : vector<16xf32>
      %mul3A_280 = vector.broadcast %squeeze3A_36 : f32 to vector<16xf32>
      %mul3A_281 = arith.mulf %get3A_210, %mul3A_280 : vector<16xf32>
      %mul3A_282 = vector.broadcast %squeeze3A_68 : f32 to vector<16xf32>
      %mul3A_283 = arith.mulf %get3A_214, %mul3A_282 : vector<16xf32>
      %add3A_284 = arith.addf %mul3A_281, %mul3A_283 : vector<16xf32>
      %mul3A_285 = vector.broadcast %squeeze3A_100 : f32 to vector<16xf32>
      %mul3A_286 = arith.mulf %get3A_218, %mul3A_285 : vector<16xf32>
      %add3A_287 = arith.addf %add3A_284, %mul3A_286 : vector<16xf32>
      %add3A_288 = vector.broadcast %squeeze3A_132 : f32 to vector<16xf32>
      %add3A_289 = arith.addf %add3A_287, %add3A_288 : vector<16xf32>
      %mul3A_290 = arith.mulf %add3A_289, %gather3A_219 : vector<16xf32>
      %add3A_291 = arith.addf %mul3A_279, %mul3A_290 : vector<16xf32>
      %mul3A_292 = vector.broadcast %squeeze3A_38 : f32 to vector<16xf32>
      %mul3A_293 = arith.mulf %get3A_210, %mul3A_292 : vector<16xf32>
      %mul3A_294 = vector.broadcast %squeeze3A_70 : f32 to vector<16xf32>
      %mul3A_295 = arith.mulf %get3A_214, %mul3A_294 : vector<16xf32>
      %add3A_296 = arith.addf %mul3A_293, %mul3A_295 : vector<16xf32>
      %mul3A_297 = vector.broadcast %squeeze3A_102 : f32 to vector<16xf32>
      %mul3A_298 = arith.mulf %get3A_218, %mul3A_297 : vector<16xf32>
      %add3A_299 = arith.addf %add3A_296, %mul3A_298 : vector<16xf32>
      %add3A_300 = vector.broadcast %squeeze3A_134 : f32 to vector<16xf32>
      %add3A_301 = arith.addf %add3A_299, %add3A_300 : vector<16xf32>
      %mul3A_302 = arith.mulf %add3A_301, %gather3A_220 : vector<16xf32>
      %add3A_303 = arith.addf %add3A_291, %mul3A_302 : vector<16xf32>
      %mul3A_304 = vector.broadcast %squeeze3A_40 : f32 to vector<16xf32>
      %mul3A_305 = arith.mulf %get3A_210, %mul3A_304 : vector<16xf32>
      %mul3A_306 = vector.broadcast %squeeze3A_72 : f32 to vector<16xf32>
      %mul3A_307 = arith.mulf %get3A_214, %mul3A_306 : vector<16xf32>
      %add3A_308 = arith.addf %mul3A_305, %mul3A_307 : vector<16xf32>
      %mul3A_309 = vector.broadcast %squeeze3A_104 : f32 to vector<16xf32>
      %mul3A_310 = arith.mulf %get3A_218, %mul3A_309 : vector<16xf32>
      %add3A_311 = arith.addf %add3A_308, %mul3A_310 : vector<16xf32>
      %add3A_312 = vector.broadcast %squeeze3A_136 : f32 to vector<16xf32>
      %add3A_313 = arith.addf %add3A_311, %add3A_312 : vector<16xf32>
      %mul3A_314 = arith.mulf %add3A_313, %gather3A_221 : vector<16xf32>
      %add3A_315 = arith.addf %add3A_303, %mul3A_314 : vector<16xf32>
      tpu.vector_store_idx %arg19[%add3A_206, %broadcast_in_dim3A_7], %add3A_315 : memref<2000x8xf32, #tpu.memory_space<vmem>>[vector<16xi32>, vector<16xi32>], vector<16xf32>,
      %mul3A_316 = vector.broadcast %squeeze3A_42 : f32 to vector<16xf32>
      %mul3A_317 = arith.mulf %get3A_210, %mul3A_316 : vector<16xf32>
      %mul3A_318 = vector.broadcast %squeeze3A_74 : f32 to vector<16xf32>
      %mul3A_319 = arith.mulf %get3A_214, %mul3A_318 : vector<16xf32>
      %add3A_320 = arith.addf %mul3A_317, %mul3A_319 : vector<16xf32>
      %mul3A_321 = vector.broadcast %squeeze3A_106 : f32 to vector<16xf32>
      %mul3A_322 = arith.mulf %get3A_218, %mul3A_321 : vector<16xf32>
      %add3A_323 = arith.addf %add3A_320, %mul3A_322 : vector<16xf32>
      %add3A_324 = vector.broadcast %squeeze3A_138 : f32 to vector<16xf32>
      %add3A_325 = arith.addf %add3A_323, %add3A_324 : vector<16xf32>
      %mul3A_326 = arith.mulf %add3A_325, %gather3A : vector<16xf32>
      %mul3A_327 = vector.broadcast %squeeze3A_44 : f32 to vector<16xf32>
      %mul3A_328 = arith.mulf %get3A_210, %mul3A_327 : vector<16xf32>
      %mul3A_329 = vector.broadcast %squeeze3A_76 : f32 to vector<16xf32>
      %mul3A_330 = arith.mulf %get3A_214, %mul3A_329 : vector<16xf32>
      %add3A_331 = arith.addf %mul3A_328, %mul3A_330 : vector<16xf32>
      %mul3A_332 = vector.broadcast %squeeze3A_108 : f32 to vector<16xf32>
      %mul3A_333 = arith.mulf %get3A_218, %mul3A_332 : vector<16xf32>
      %add3A_334 = arith.addf %add3A_331, %mul3A_333 : vector<16xf32>
      %add3A_335 = vector.broadcast %squeeze3A_140 : f32 to vector<16xf32>
      %add3A_336 = arith.addf %add3A_334, %add3A_335 : vector<16xf32>
      %mul3A_337 = arith.mulf %add3A_336, %gather3A_219 : vector<16xf32>
      %add3A_338 = arith.addf %mul3A_326, %mul3A_337 : vector<16xf32>
      %mul3A_339 = vector.broadcast %squeeze3A_46 : f32 to vector<16xf32>
      %mul3A_340 = arith.mulf %get3A_210, %mul3A_339 : vector<16xf32>
      %mul3A_341 = vector.broadcast %squeeze3A_78 : f32 to vector<16xf32>
      %mul3A_342 = arith.mulf %get3A_214, %mul3A_341 : vector<16xf32>
      %add3A_343 = arith.addf %mul3A_340, %mul3A_342 : vector<16xf32>
      %mul3A_344 = vector.broadcast %squeeze3A_110 : f32 to vector<16xf32>
      %mul3A_345 = arith.mulf %get3A_218, %mul3A_344 : vector<16xf32>
      %add3A_346 = arith.addf %add3A_343, %mul3A_345 : vector<16xf32>
      %add3A_347 = vector.broadcast %squeeze3A_142 : f32 to vector<16xf32>
      %add3A_348 = arith.addf %add3A_346, %add3A_347 : vector<16xf32>
      %mul3A_349 = arith.mulf %add3A_348, %gather3A_220 : vector<16xf32>
      %add3A_350 = arith.addf %add3A_338, %mul3A_349 : vector<16xf32>
      %mul3A_351 = vector.broadcast %squeeze3A_48 : f32 to vector<16xf32>
      %mul3A_352 = arith.mulf %get3A_210, %mul3A_351 : vector<16xf32>
      %mul3A_353 = vector.broadcast %squeeze3A_80 : f32 to vector<16xf32>
      %mul3A_354 = arith.mulf %get3A_214, %mul3A_353 : vector<16xf32>
      %add3A_355 = arith.addf %mul3A_352, %mul3A_354 : vector<16xf32>
      %mul3A_356 = vector.broadcast %squeeze3A_112 : f32 to vector<16xf32>
      %mul3A_357 = arith.mulf %get3A_218, %mul3A_356 : vector<16xf32>
      %add3A_358 = arith.addf %add3A_355, %mul3A_357 : vector<16xf32>
      %add3A_359 = vector.broadcast %squeeze3A_144 : f32 to vector<16xf32>
      %add3A_360 = arith.addf %add3A_358, %add3A_359 : vector<16xf32>
      %mul3A_361 = arith.mulf %add3A_360, %gather3A_221 : vector<16xf32>
      %add3A_362 = arith.addf %add3A_350, %mul3A_361 : vector<16xf32>
      tpu.vector_store_idx %arg19[%add3A_206, %broadcast_in_dim3A_9], %add3A_362 : memref<2000x8xf32, #tpu.memory_space<vmem>>[vector<16xi32>, vector<16xi32>], vector<16xf32>,
      %mul3A_363 = vector.broadcast %squeeze3A_50 : f32 to vector<16xf32>
      %mul3A_364 = arith.mulf %get3A_210, %mul3A_363 : vector<16xf32>
      %mul3A_365 = vector.broadcast %squeeze3A_82 : f32 to vector<16xf32>
      %mul3A_366 = arith.mulf %get3A_214, %mul3A_365 : vector<16xf32>
      %add3A_367 = arith.addf %mul3A_364, %mul3A_366 : vector<16xf32>
      %mul3A_368 = vector.broadcast %squeeze3A_114 : f32 to vector<16xf32>
      %mul3A_369 = arith.mulf %get3A_218, %mul3A_368 : vector<16xf32>
      %add3A_370 = arith.addf %add3A_367, %mul3A_369 : vector<16xf32>
      %add3A_371 = vector.broadcast %squeeze3A_146 : f32 to vector<16xf32>
      %add3A_372 = arith.addf %add3A_370, %add3A_371 : vector<16xf32>
      %mul3A_373 = arith.mulf %add3A_372, %gather3A : vector<16xf32>
      %mul3A_374 = vector.broadcast %squeeze3A_52 : f32 to vector<16xf32>
      %mul3A_375 = arith.mulf %get3A_210, %mul3A_374 : vector<16xf32>
      %mul3A_376 = vector.broadcast %squeeze3A_84 : f32 to vector<16xf32>
      %mul3A_377 = arith.mulf %get3A_214, %mul3A_376 : vector<16xf32>
      %add3A_378 = arith.addf %mul3A_375, %mul3A_377 : vector<16xf32>
      %mul3A_379 = vector.broadcast %squeeze3A_116 : f32 to vector<16xf32>
      %mul3A_380 = arith.mulf %get3A_218, %mul3A_379 : vector<16xf32>
      %add3A_381 = arith.addf %add3A_378, %mul3A_380 : vector<16xf32>
      %add3A_382 = vector.broadcast %squeeze3A_148 : f32 to vector<16xf32>
      %add3A_383 = arith.addf %add3A_381, %add3A_382 : vector<16xf32>
      %mul3A_384 = arith.mulf %add3A_383, %gather3A_219 : vector<16xf32>
      %add3A_385 = arith.addf %mul3A_373, %mul3A_384 : vector<16xf32>
      %mul3A_386 = vector.broadcast %squeeze3A_54 : f32 to vector<16xf32>
      %mul3A_387 = arith.mulf %get3A_210, %mul3A_386 : vector<16xf32>
      %mul3A_388 = vector.broadcast %squeeze3A_86 : f32 to vector<16xf32>
      %mul3A_389 = arith.mulf %get3A_214, %mul3A_388 : vector<16xf32>
      %add3A_390 = arith.addf %mul3A_387, %mul3A_389 : vector<16xf32>
      %mul3A_391 = vector.broadcast %squeeze3A_118 : f32 to vector<16xf32>
      %mul3A_392 = arith.mulf %get3A_218, %mul3A_391 : vector<16xf32>
      %add3A_393 = arith.addf %add3A_390, %mul3A_392 : vector<16xf32>
      %add3A_394 = vector.broadcast %squeeze3A_150 : f32 to vector<16xf32>
      %add3A_395 = arith.addf %add3A_393, %add3A_394 : vector<16xf32>
      %mul3A_396 = arith.mulf %add3A_395, %gather3A_220 : vector<16xf32>
      %add3A_397 = arith.addf %add3A_385, %mul3A_396 : vector<16xf32>
      %mul3A_398 = vector.broadcast %squeeze3A_56 : f32 to vector<16xf32>
      %mul3A_399 = arith.mulf %get3A_210, %mul3A_398 : vector<16xf32>
      %mul3A_400 = vector.broadcast %squeeze3A_88 : f32 to vector<16xf32>
      %mul3A_401 = arith.mulf %get3A_214, %mul3A_400 : vector<16xf32>
      %add3A_402 = arith.addf %mul3A_399, %mul3A_401 : vector<16xf32>
      %mul3A_403 = vector.broadcast %squeeze3A_120 : f32 to vector<16xf32>
      %mul3A_404 = arith.mulf %get3A_218, %mul3A_403 : vector<16xf32>
      %add3A_405 = arith.addf %add3A_402, %mul3A_404 : vector<16xf32>
      %add3A_406 = vector.broadcast %squeeze3A_152 : f32 to vector<16xf32>
      %add3A_407 = arith.addf %add3A_405, %add3A_406 : vector<16xf32>
      %mul3A_408 = arith.mulf %add3A_407, %gather3A_221 : vector<16xf32>
      %add3A_409 = arith.addf %add3A_397, %mul3A_408 : vector<16xf32>
      tpu.vector_store_idx %arg19[%add3A_206, %broadcast_in_dim3A_11], %add3A_409 : memref<2000x8xf32, #tpu.memory_space<vmem>>[vector<16xi32>, vector<16xi32>], vector<16xf32>,
      %scan3A_410 = arith.constant 0 : i32
      %scan3A_411 = arith.constant 125 : i32
      "tpu.region"() ({
        %run_scoped3A = tpu.sem_alloc : memref<!tpu.dma_semaphore, #tpu.memory_space<semaphore_mem>>
        %dma_start3A_413 = arith.constant 0 : i32
        %dma_start3A_414 = arith.constant 0 : i32
        %dma_start3A_415 = tpu.memref_slice %arg11[%dma_start3A_413, %dma_start3A_414] : memref<100096x8xf32, #tpu.memory_space<vmem_shared>> -> memref<100096x8xf32, #tpu.memory_space<vmem_shared>>
        tpu.enqueue_indirect_dma source(%arg19 : memref<2000x8xf32, #tpu.memory_space<vmem>>) target(%dma_start3A_415 : memref<100096x8xf32, #tpu.memory_space<vmem_shared>>) offsets(%arg17 : memref<2000xi32, #tpu.memory_space<vmem>>) semaphore(%run_scoped3A : memref<!tpu.dma_semaphore, #tpu.memory_space<semaphore_mem>>) {add = true}
        %dma_wait3A_416 = arith.constant 0 : i32
        %dma_wait3A_417 = arith.constant 0 : i32
        %dma_wait3A_418 = tpu.memref_slice %arg11[%dma_wait3A_416, %dma_wait3A_417] : memref<100096x8xf32, #tpu.memory_space<vmem_shared>> -> memref<100096x8xf32, #tpu.memory_space<vmem_shared>>
        tpu.wait_indirect_dma semaphore(%run_scoped3A : memref<!tpu.dma_semaphore, #tpu.memory_space<semaphore_mem>>) src(%arg19 : memref<2000x8xf32, #tpu.memory_space<vmem>>) dst(%dma_wait3A_418 : memref<100096x8xf32, #tpu.memory_space<vmem_shared>>)
        tpu.yield
      }) : () -> ()
      %scan3A_412 = arith.constant 0 : i32
      scf.yield %scan3A_412 : i32
    }
    %scan3A_158 = arith.constant 100 : i32
    %barrier3A_159 = arith.constant 0 : index
    tpu.barrier barrier_id(%barrier3A_159)
    %mul3A_160 = arith.constant 6256 : i32
    %mul3A_161 = arith.muli %arg1, %mul3A_160 : i32
    %mul3A_162 = arith.constant 6256 : i32
    %mul3A_163 = arith.muli %arg1, %mul3A_162 : i32
    "tpu.region"() ({
      %run_scoped3A = tpu.sem_alloc : memref<!tpu.dma_semaphore, #tpu.memory_space<semaphore_mem>>
      %dma_start3A = arith.constant 0 : i32
      %dma_start3A_164 = tpu.memref_slice %arg10[%arg0, %mul3A_163, %dma_start3A] : memref<2x100096x8xf32, #tpu.memory_space<hbm>> -> memref<1x6256x8xf32, #tpu.memory_space<hbm>>
      %dma_start3A_165 = tpu.memref_squeeze %dma_start3A_164 : memref<1x6256x8xf32, #tpu.memory_space<hbm>> -> memref<6256x8xf32, #tpu.memory_space<hbm>>
      %dma_start3A_166 = arith.constant 0 : i32
      %dma_start3A_167 = tpu.memref_slice %arg11[%mul3A_161, %dma_start3A_166] : memref<100096x8xf32, #tpu.memory_space<vmem_shared>> -> memref<6256x8xf32, #tpu.memory_space<vmem_shared>>
      tpu.enqueue_dma source(%dma_start3A_167 : memref<6256x8xf32, #tpu.memory_space<vmem_shared>>) target(%dma_start3A_165 : memref<6256x8xf32, #tpu.memory_space<hbm>>) target_semaphore(%run_scoped3A : memref<!tpu.dma_semaphore, #tpu.memory_space<semaphore_mem>>)
      %dma_wait3A = arith.constant 0 : i32
      %dma_wait3A_168 = tpu.memref_slice %arg10[%arg0, %mul3A_163, %dma_wait3A] : memref<2x100096x8xf32, #tpu.memory_space<hbm>> -> memref<1x6256x8xf32, #tpu.memory_space<hbm>>
      %dma_wait3A_169 = tpu.memref_squeeze %dma_wait3A_168 : memref<1x6256x8xf32, #tpu.memory_space<hbm>> -> memref<6256x8xf32, #tpu.memory_space<hbm>>
      %dma_wait3A_170 = arith.constant 0 : i32
      %dma_wait3A_171 = tpu.memref_slice %arg11[%mul3A_161, %dma_wait3A_170] : memref<100096x8xf32, #tpu.memory_space<vmem_shared>> -> memref<6256x8xf32, #tpu.memory_space<vmem_shared>>
      tpu.wait_dma2 semaphore(%run_scoped3A : memref<!tpu.dma_semaphore, #tpu.memory_space<semaphore_mem>>) src(%dma_wait3A_171 : memref<6256x8xf32, #tpu.memory_space<vmem_shared>>) dst(%dma_wait3A_169 : memref<6256x8xf32, #tpu.memory_space<hbm>>)
      tpu.yield
    }) : () -> ()
    return
  }
}

module attributes {stable_mosaic.version = 14 : i64} {
  func.func @_combine_body(%arg0: memref<2x6256x128xf32, #tpu.memory_space<vmem>>, %arg1: memref<6256x128xf32, #tpu.memory_space<vmem>>) attributes {dimension_semantics = [], scalar_prefetch = 0 : i64, scratch_operands = 0 : i64, tpu.core_type = #tpu.core_type<tc>} {
    %get3A = arith.constant 0 : index
    %get3A_0 = arith.constant 0 : index
    %get3A_1 = arith.constant 0 : index
    %get3A_2 = vector.load %arg0[%get3A, %get3A_0, %get3A_1] : memref<2x6256x128xf32, #tpu.memory_space<vmem>>, vector<1x6256x128xf32>
    %get3A_3 = vector.shape_cast %get3A_2 : vector<1x6256x128xf32> to vector<6256x128xf32>
    %get3A_4 = arith.constant 1 : index
    %get3A_5 = arith.constant 0 : index
    %get3A_6 = arith.constant 0 : index
    %get3A_7 = vector.load %arg0[%get3A_4, %get3A_5, %get3A_6] : memref<2x6256x128xf32, #tpu.memory_space<vmem>>, vector<1x6256x128xf32>
    %get3A_8 = vector.shape_cast %get3A_7 : vector<1x6256x128xf32> to vector<6256x128xf32>
    %add3A = arith.addf %get3A_3, %get3A_8 : vector<6256x128xf32>
    %swap3A = arith.constant 0 : index
    %swap3A_9 = arith.constant 0 : index
    %swap3A_10 = vector.load %arg1[%swap3A, %swap3A_9] : memref<6256x128xf32, #tpu.memory_space<vmem>>, vector<6256x128xf32>
    tpu.vector_store %arg1[%swap3A, %swap3A_9], %add3A {strides = array<i32>} : memref<6256x128xf32, #tpu.memory_space<vmem>>, vector<6256x128xf32>,
    return
  }
}

</mosaic_0001>

<sc_bundles>
// kernel: kernel.4.cloned.1.call-start
scs
__scs_entry_jumppad:
0x0: {  	(pc) =	sbr.rel $0x88, $3  }
0x1: {  	(tag) =	ssettag $0x0;
	lr =	simm.s32 $0x1  }
0x2: {  	[smem:$0x3F9C] =	sst lr;
	_ =	strace $0xD0000000  }
0x3: {  	_ = 	snop  }
0x4: {  	_ = 	snop  }
0x5: {  	_ = 	snop  }
0x6: {  	_ = 	snop  }
0x7: {  	_ = 	snop  }
__scs_overlays_trampoline_lowered:
0x8: {  	[smem:$0x3FAB] =	sst s0  }
0x9: {  	[smem:$0x3FAC] =	sst s1  }
0xa: {  	[smem:$0x3FAD] =	sst s2  }
0xb: {  	[smem:$0x3FAE] =	sst s3  }
0xc: {  	[smem:$0x3FAF] =	sst s4  }
0xd: {  	[smem:$0x3FB0] =	sst s5  }
0xe: {  	[smem:$0x3FB1] =	sst s6  }
0xf: {  	[smem:$0x3FB2] =	sst s7  }
0x10: {  	[smem:$0x3FB3] =	sst s8  }
0x11: {  	[smem:$0x3FB4] =	sst s9;
	s0 =	simm.s32 @!p0 $0x0  }
0x12: {  	s1 =	sld [smem:$0x3F9A];
	s0 =	simm.s32 @p0 $0x1  }
0x13: {  	[smem:$0x3FB5] =	sst s0;
	s0 =	simm.s32 @!p1 $0x0  }
0x14: {  	s2 =	sld [smem:$0x3F99];
	s0 =	simm.s32 @p1 $0x1  }
0x15: {  	[smem:$0x3FB6] =	sst s0;
	s0 =	simm.s32 @!p2 $0x0  }
0x16: {  	s3 =	sld [smem:$0x3FDB];
	s0 =	simm.s32 @p2 $0x1  }
0x17: {  	s4 =	simm.s32 $0x1BF5;
	[smem:$0x3FB8] =	sst s0  }
0x18: {  	s0 =	sld [smem:$0x3F9B];
	_ =	swait.ge [sflag:s4], $0x0  }
0x19: {  	s7 =	sld [smem:$0x3F9C]  }
0x1a: {  	s8 =	sadd.s32 $0xFFFFE003, lr  }
0x1b: {  	s9 =	sadd.s32 $0xFFFFFEF7, lr;
	s5 =	simm.s32 $0xFFFFFFFF;
	p2 =	slt.u32 s8, $0xFFFFF086  }
0x1c: {  	p1 =	slt.u32 s9, $0xF7A;
	s5 =	simm.s32 @!p2 $0x0  }
0x1d: {  	s5 =	simm.s32 @p1 $0x1;
	p0 =	seq.s32 s7, s2  }
0x1e: {  	s7 =	smul.u32 @!p0 $0xF7A, s2;
	p2 =	seq.s32 @!p0 s5, $0x0  }
0x1f: {  	s9 =	smul.u32 $0xF7A, s1;
	s8 =	simm.s32 @!p0 $0x1BF5;
	p2 =	por !p2, p0  }
0x20: {  	[sflag:s8] =	ssyncset.s32 @!p0 $0xFFFFF086;
	s6 =	sadd.s32 @!p0 s3, s7;
	s7 =	simm.s32 @!p0 $0x108  }
0x21: {  	s3 =	sadd.s32 s3, s9;
	s6 =	sadd.s32 @!p0 $0x88, s6;
	s7 =	simm.s32 @p2 $0x1082  }
0x22: {  	[simem:s7], [sflag:s8] =	dma.local @!p0 [hbm:s6], $0xF7A  }
0x23: {  	s9 =	sor.u32 $0xD0000000, s2;
	s6 =	simm.s32 $0x108;
	_ =	swait.ge @!p0 [sflag:s8], $0x0  }
0x24: {  	s3 =	sadd.s32 $0x88, s3;
	s6 =	simm.s32 @!p1 $0x1082;
	[sflag:s4] =	ssyncset.s32 $0xFFFFF086  }
0x25: {  	[simem:s6], [sflag:s4] =	dma.local [hbm:s3], $0xF7A  }
0x26: {  	[smem:$0x3F9C] =	sst s1;
	(tag) =	ssettag s2;
	_ =	strace s9  }
0x27: {  	s1 =	sld [smem:$0x3FAC]  }
0x28: {  	s2 =	sld [smem:$0x3FAD]  }
0x29: {  	s4 =	sld [smem:$0x3FAF]  }
0x2a: {  	p0 =	seq.s32 s5, $0x0;
	s5 =	sld [smem:$0x3FB0]  }
0x2b: {  	s6 =	sld [smem:$0x3FB1]  }
0x2c: {  	s7 =	sld [smem:$0x3FB2]  }
0x2d: {  	s3 =	simm.s32 $0x108;
	s8 =	sld [smem:$0x3FB3]  }
0x2e: {  	s3 =	simm.s32 @!p0 $0x1082;
	s9 =	sld [smem:$0x3FB4]  }
0x2f: {  	lr =	sadd.s32 s0, s3;
	s0 =	sld [smem:$0x3FAB]  }
0x30: {  	s3 =	sld [smem:$0x3FAE]  }
0x31: {  	[smem:$0x3FB7] =	sst s10  }
0x32: {  	s10 =	sld [smem:$0x3FB5];
	_ =	sdelay $0x3  }
0x33: {  	p0 =	seq.s32 s10, $0x1;
	s10 =	sld [smem:$0x3FB7];
	_ =	sdelay $0x3  }
0x34: {  	[smem:$0x3FB7] =	sst s10  }
0x35: {  	s10 =	sld [smem:$0x3FB6];
	_ =	sdelay $0x3  }
0x36: {  	p1 =	seq.s32 s10, $0x1;
	s10 =	sld [smem:$0x3FB7];
	_ =	sdelay $0x3  }
0x37: {  	[smem:$0x3FB7] =	sst s10  }
0x38: {  	s10 =	sld [smem:$0x3FB8]  }
0x39: {  	_ = 	snop;
	(pc) =	sbr.ind lr, $3  }
0x3a: {  	_ = 	snop  }
0x3b: {  	_ = 	snop  }
0x3c: {  	p2 =	seq.s32 s10, $0x1;
	s10 =	sld [smem:$0x3FB7]  }
0x3d: {  	_ =	shalt  }
0x3e: {  	_ =	shalt  }
0x3f: {  	_ =	shalt  }
0x40: {  	_ =	shalt  }
0x41: {  	_ =	shalt  }
0x42: {  	_ =	shalt  }
0x43: {  	_ =	shalt  }
0x44: {  	_ =	shalt  }
0x45: {  	_ =	shalt  }
0x46: {  	_ =	shalt  }
0x47: {  	_ =	shalt  }
0x48: {  	_ =	shalt  }
0x49: {  	_ =	shalt  }
0x4a: {  	_ =	shalt  }
0x4b: {  	_ =	shalt  }
0x4c: {  	_ =	shalt  }
0x4d: {  	_ =	shalt  }
0x4e: {  	_ =	shalt  }
0x4f: {  	_ =	shalt  }
0x50: {  	_ =	shalt  }
0x51: {  	_ =	shalt  }
0x52: {  	_ =	shalt  }
0x53: {  	_ =	shalt  }
0x54: {  	_ =	shalt  }
0x55: {  	_ =	shalt  }
0x56: {  	_ =	shalt  }
0x57: {  	_ =	shalt  }
0x58: {  	_ =	shalt  }
0x59: {  	_ =	shalt  }
0x5a: {  	_ =	shalt  }
0x5b: {  	_ =	shalt  }
0x5c: {  	_ =	shalt  }
0x5d: {  	_ =	shalt  }
0x5e: {  	_ =	shalt  }
0x5f: {  	_ =	shalt  }
0x60: {  	_ =	shalt  }
0x61: {  	_ =	shalt  }
0x62: {  	_ =	shalt  }
0x63: {  	_ =	shalt  }
0x64: {  	_ =	shalt  }
0x65: {  	_ =	shalt  }
0x66: {  	_ =	shalt  }
0x67: {  	_ =	shalt  }
0x68: {  	_ =	shalt  }
0x69: {  	_ =	shalt  }
0x6a: {  	_ =	shalt  }
0x6b: {  	_ =	shalt  }
0x6c: {  	_ =	shalt  }
0x6d: {  	_ =	shalt  }
0x6e: {  	_ =	shalt  }
0x6f: {  	_ =	shalt  }
0x70: {  	_ =	shalt  }
0x71: {  	_ =	shalt  }
0x72: {  	_ =	shalt  }
0x73: {  	_ =	shalt  }
0x74: {  	_ =	shalt  }
0x75: {  	_ =	shalt  }
0x76: {  	_ =	shalt  }
0x77: {  	_ =	shalt  }
0x78: {  	_ =	shalt  }
0x79: {  	_ =	shalt  }
0x7a: {  	_ =	shalt  }
0x7b: {  	_ =	shalt  }
0x7c: {  	_ =	shalt  }
0x7d: {  	_ =	shalt  }
0x7e: {  	_ =	shalt  }
0x7f: {  	_ =	shalt  }
0x80: {  	_ =	shalt  }
0x81: {  	_ =	shalt  }
0x82: {  	_ =	shalt  }
0x83: {  	_ =	shalt  }
0x84: {  	_ =	shalt  }
0x85: {  	_ =	shalt  }
0x86: {  	_ =	shalt  }
0x87: {  	_ =	shalt  }
.Lfunc_end0:
.L_simem_size_0:
called_computation_lowered:
.L_overlay_start_0:
0x88: {  	s2 =	sld [smem:$0x3FD9]  }
0x89: {  	s3 =	sld [smem:$0x3FFE];
	_ =	sdelay $0x1  }
0x8a: {  	s1 =	srdreg.scid  }
0x8b: {  	s0 =	sand.u32 $0x1, s1  }
0x8c: {  	s17 =	sshll.u32 s0, $0xA;
	s2 =	sadd.s32 s3, s2  }
0x8d: {  	s2 =	sadd.s32 s2, s17  }
0x8e: {  	[smem:$0x3FC3] =	sst s2  }
0x8f: {  	_ = 	snop  }
0x90: {  	s2 =	sld [smem:$0x3FD0];
	(tm) =	ssettm $0x1  }
0x91: {  	s18 =	sld [smem:$0x3FFB];
	_ =	sdelay $0x3  }
0x92: {  	_ =	strace s18  }
0x93: {  	s3 =	sld [smem:$0x3FFC];
	_ =	sdelay $0x3  }
0x94: {  	_ =	strace s3  }
0x95: {  	s3 =	sld [smem:$0x3FFD];
	_ =	sdelay $0x3  }
0x96: {  	_ =	strace s3  }
0x97: {  	_ =	strace $0x8FFFFFFF  }
0x98: {  	s19 =	sld [smem:$0x3FDB];
	_ =	sdelay $0x1  }
0x99: {  	s4 =	simm.s32 $_scs_section_size  }
0x9a: {  	s5 =	simm.s32 $_size__tile_overlayer_lowered;
	s6 =	simm.s32 $_tile_overlayer_lowered  }
0x9b: {  	s22 =	simm.s32 $0x1BFF;
	s21 =	sshll.u32 s6, $0x1;
	s3 =	sadd.s32 s4, s19  }
0x9c: {  	s7 =	simm.s32 $0x0;
	s20 =	sshll.u32 s5, $0x1;
	s5 =	sadd.s32 s21, s3  }
0x9d: {  	[timem:s7], [sflag:s22] =	dma.local [hbm:s5], s20  }
0x9e: {  	_ =	swait.ge [sflag:s22], s20  }
0x9f: {  	s4 =	ssub.s32 $0x0, s20;
	[sflag:s22] =	ssyncset.done $0x0  }
0xa0: {  	[sflag:s22] =	ssyncadd.s32 s4;
	_ =	sdelay $0x1  }
0xa1: {  	s23 =	simm.s32 $0x1B8B  }
0xa2: {  	_ =	swait.ge [sflag:s23], $0x1  }
0xa3: {  	[sflag:s23] =	ssyncset.done $0x0  }
0xa4: {  	s25 =	simm.s32 $0x1B8E;
	s24 =	sld [smem:$0x3FFE];
	[sflag:s23] =	ssyncadd.s32 $0xFFFFFFFF  }
0xa5: {  	s26 =	simm.s32 $execute0_lowered;
	[smem:$0x3FD2] =	sst s25  }
0xa6: {  	s5 =	sshll.u32 s26, $0x1;
	_ =	strace $0x80000046;
	[dreg:$0x1] =	wrdreg $0xFFFFFFFF  }
0xa7: {  	s28 =	simm.s32 $_size_execute0_lowered;
	s3 =	sadd.s32 s3, s5;
	[dreg:$0x0] =	wrdreg $0x0  }
0xa8: {  	s5 =	sshll.u32 s28, $0x1;
	[dreg:$0x2] =	wrdreg s3  }
0xa9: {  	[dreg:$0x3] =	wrdreg s5  }
0xaa: {  	[dreg:$0x4] =	wrdreg $0xC0  }
0xab: {  	_ =	task [dreg:s7], $0x5FFFF  }
0xac: {  	[dreg:$0x1] =	wrdreg $0xFFFFFFFF  }
0xad: {  	[dreg:$0x0] =	wrdreg $0x60  }
0xae: {  	[dreg:$0x2] =	wrdreg s24  }
0xaf: {  	[dreg:$0x3] =	wrdreg s2  }
0xb0: {  	[dreg:$0x4] =	wrdreg $0x0  }
0xb1: {  	[dreg:$0x5] =	wrdreg $0x9  }
0xb2: {  	_ =	task.clear_ibuf [dreg:s7], $0x6FFFF;
	_ =	strace $0x90000046  }
0xb3: {  	s29 =	simm.s32 $0x9;
	_ =	strace $0x80000048  }
0xb4: {  	_ =	swait.ge [sflag:s29], $0x1  }
0xb5: {  	[sflag:s29] =	ssyncadd.s32 $0xFFFFFFFF  }
0xb6: {  	_ =	strace $0x90000048  }
0xb7: {  	_ =	sfence  }
0xb8: {  	s30 =	sld [smem:$0x0];
	_ =	sdelay $0x2  }
0xb9: {  	s31 =	sshll.u32 s1, $0xD;
	s1 =	sshrl.u32 s1, $0x2  }
0xba: {  	s3 =	sand.u32 $0x4000, s31;
	s1 =	sadd.s32 s1, s30  }
0xbb: {  	s0 =	sor.u32 s3, s0;
	s1 =	sshll.u32 s1, $0x11  }
0xbc: {  	s0 =	sor.u32 s1, s0  }
0xbd: {  	s0 =	sadd.s32 $0x8F2B, s0  }
0xbe: {  	[sflag:s0] =	ssyncadd.remote.s32 $0x1  }
0xbf: {  	_ =	sfence.sel $0xFFFF  }
0xc0: {  	[dreg:$0x0] =	wrdreg $0xFFFFFFFF;
	(pc) =	sbr.abs _section_cstart, $3  }
0xc1: {  	[dreg:$0x1] =	wrdreg $0xFFFFFFFF  }
0xc2: {  	_ =	task.clear_ibuf [dreg:s7], $0x2FFFF;
	_ =	strace $0x9FFFFFFF  }
0xc3: {  	(tm) =	ssettm $0x7FFFFFFF  }
tec
execute0_lowered:
.L_overlay_start_1:
0x0: {  	(tag) =	ssettag $0x1  }
0x1: {  	s0 =	rddreg [dreg:$0x0]  }
0x2: {  	s2 =	rddreg [dreg:$0x2];
	s1 =	simm.s32 $0x0  }
0x3: {  	s23 =	srdreg.scid;
	s14 =	stileid.u32;
	s17 =	simm.s32 $0x3  }
0x4: {  	s18 =	simm.s32 $0x12950;
	s21 =	simm.s32 $0xDB30;
	s22 =	simm.s32 $0xE300  }
0x5: {  	s28 =	simm.s32 $0x7D0;
	s29 =	simm.s32 $0xEAD0;
	s30 =	simm.s32 $0x1  }
0x6: {  	s31 =	simm.s32 $0x0;
	[smem:$0x7FF] =	sst s1;
	s3 =	smul.u32 $0xC380, s14  }
0x7: {  	s1 =	sand.u32 $0x1, s23;
	s6 =	sadd.s32 $0x326A00, s0;
	s7 =	sadd.s32 $0x263400, s0  }
0x8: {  	s5 =	sadd.s32 $0xA00, s0;
	s8 =	sadd.s32 $0x19FE00, s0;
	s9 =	sadd.s32 $0xDC800, s0  }
0x9: {  	s10 =	sadd.s32 $0x19200, s0;
	s11 =	sadd.s32 $0x3EA000, s0;
	s13 =	sshll.u32 s14, $0x1  }
0xa: {  	s26 =	sshll.u32 s14, $0x6;
	s23 =	simm.s32 $0xC3C0;
	_ =	strace $0x80000047  }
0xb: {  	s4 =	smul.u32 $0xC3800, s1;
	s12 =	ssub.s32 $0x2, s1;
	s1 =	sor.u32 s1, s13  }
0xc: {  	s19 =	sor.u32 $0x1C03, s26;
	s26 =	simm.s32 $0x2;
	s24 =	sshrl.u32 s12, $0x1  }
0xd: {  	s25 =	sshrl.u32 s3, $0x3;
	s4 =	sadd.s32 s3, s4;
	s3 =	sadd.s32 s3, s2  }
0xe: {  	v0 =	vlaneseq.u32;
	s13 =	smul.u32 $0x30D40, s1;
	s4 =	sshrl.u32 s4, $0x3;
	s20 =	sshrl.u32 s3, $0x3  }
0xf: {  	v0 =	vmul.u32 $0x8, v0;
	s0 =	sadd.s32 s4, s0;
	s4 =	ssub.s32 s12, s24;
	s12 =	sadd.s32 s11, s25  }
0x10: {  	s24 =	simm.s32 $0xCB90;
	[dreg:$0x4] =	wrdreg s12;
	s0 =	sadd.s32 $0x402800, s0  }
0x11: {  	[tilespmem:$0x1FFF0] =	vst v0;
	s25 =	simm.s32 $0xD360;
	s15 =	smax.u32 s4, $0x1;
	[dreg:$0x5] =	wrdreg s0  }
.LBB2_1:
0x12: {  	s0 =	rddreg [dreg:$0x1];
	s1 =	simm.s32 $0x0;
	s3 =	simm.s32 $0xC380  }
0x13: {  	[tilespmem:s3], [sflag:$0x3] =	stream.linear.gather [hbm4b:s0+s1], $0x40, $0x38;
	[tilespmem:$0x167D0] =	vst v63  }
0x14: {  	_ =	swait.ge [sflag:s17], $0x40  }
0x15: {  	[sflag:s17] =	ssyncset.done $0x0  }
0x16: {  	[sflag:s17] =	ssyncadd.s32 $0xFFFFFFC0  }
0x17: {  	[tilespmem:s18], [sflag:$0x3] =	stream.linear.gather [hbm4b:s11+s1], $0x3E80, $0x38;
	[tilespmem:$0x167D0] =	vst v63  }
0x18: {  	_ =	swait.ge [sflag:s17], $0x3E80  }
0x19: {  	[sflag:s17] =	ssyncset.done $0x0  }
0x1a: {  	s16 =	rddreg [dreg:$0x4];
	[sflag:s17] =	ssyncadd.s32 $0xFFFFC180  }
0x1b: {  	[spmem:s20], [sflag:s19] =	dma.local [hbm:s16], $0x1870  }
0x1c: {  	_ =	swait.ge [sflag:s17], $0x1870  }
0x1d: {  	[sflag:s17] =	ssyncset.done $0x0  }
0x1e: {  	[sflag:s17] =	ssyncadd.s32 $0xFFFFE790  }
0x1f: {  	[bflag:$0x0] =	sbarrier.arrive $0xFFFF  }
0x20: {  	v4 =	vld [tilespmem:$0xC380]  }
0x21: {  	v1 =	vld [tilespmem:$0xC390]  }
0x22: {  	v2 =	vld [tilespmem:$0xC3A0]  }
0x23: {  	v3 =	vld [tilespmem:$0xC3B0];
	_ =	sdelay $0x1  }
0x24: {  	v0 =	vbroadcast v4, $0x0  }
0x25: {  	v59 =	vbroadcast v1, $0x0  }
0x26: {  	v60 =	vbroadcast v2, $0x0;
	[tilespmem:$0x1FC50] =	vst v0  }
0x27: {  	v61 =	vbroadcast v3, $0x0;
	[tilespmem:$0x1FC60] =	vst v59  }
0x28: {  	v62 =	vbroadcast v4, $0x1;
	[tilespmem:$0x1FC70] =	vst v60  }
0x29: {  	v63 =	vbroadcast v1, $0x1;
	[tilespmem:$0x1FC80] =	vst v61  }
0x2a: {  	v5 =	vbroadcast v2, $0x1;
	[tilespmem:$0x1FC90] =	vst v62  }
0x2b: {  	v6 =	vbroadcast v3, $0x1;
	[tilespmem:$0x1FCA0] =	vst v63  }
0x2c: {  	v7 =	vbroadcast v4, $0x2;
	[tilespmem:$0x1FCB0] =	vst v5  }
0x2d: {  	v8 =	vbroadcast v2, $0x2;
	[tilespmem:$0x1FCC0] =	vst v6  }
0x2e: {  	v9 =	vbroadcast v4, $0x4;
	[tilespmem:$0x1FCD0] =	vst v7  }
0x2f: {  	v10 =	vbroadcast v2, $0x4;
	[tilespmem:$0x1FCE0] =	vst v8  }
0x30: {  	v11 =	vbroadcast v4, $0x5;
	[tilespmem:$0x1FCF0] =	vst v9  }
0x31: {  	v42 =	vbroadcast v1, $0x2;
	v12 =	vbroadcast v1, $0x5;
	[tilespmem:$0x1FD00] =	vst v10  }
0x32: {  	v44 =	vbroadcast v1, $0x3;
	v13 =	vbroadcast v2, $0x5;
	[tilespmem:$0x1FD10] =	vst v11  }
0x33: {  	v31 =	vbroadcast v1, $0x4;
	v14 =	vbroadcast v3, $0x5;
	[tilespmem:$0x1FD20] =	vst v12  }
0x34: {  	v15 =	vbroadcast v1, $0x6;
	v16 =	vbroadcast v2, $0x6;
	[tilespmem:$0x1FD30] =	vst v13  }
0x35: {  	v52 =	vbroadcast v1, $0x7;
	v17 =	vbroadcast v2, $0x7;
	[tilespmem:$0x1FD40] =	vst v14  }
0x36: {  	v37 =	vbroadcast v1, $0x8;
	v18 =	vbroadcast v2, $0x8;
	[tilespmem:$0x1FD50] =	vst v15  }
0x37: {  	v38 =	vbroadcast v1, $0x9;
	v50 =	vbroadcast v1, $0xA;
	[tilespmem:$0x1FD60] =	vst v16  }
0x38: {  	v41 =	vbroadcast v1, $0xB;
	v32 =	vbroadcast v4, $0xE;
	[tilespmem:$0x1FD70] =	vst v17  }
0x39: {  	v51 =	vbroadcast v1, $0xC;
	v40 =	vbroadcast v1, $0xE;
	[tilespmem:$0x1FD80] =	vst v18  }
0x3a: {  	v58 =	vbroadcast v1, $0xD;
	v1 =	vbroadcast v1, $0xF;
	[tilespmem:$0x1FDA0] =	vst v32  }
0x3b: {  	v57 =	vbroadcast v4, $0x9;
	[tilespmem:$0x1FDB0] =	vst v40  }
0x3c: {  	[tilespmem:$0x1FDD0] =	vst v1  }
0x3d: {  	v29 =	vbroadcast v4, $0x6;
	[tilespmem:$0x1FE00] =	vst v57  }
0x3e: {  	[tilespmem:$0x1FE10] =	vst v52  }
0x3f: {  	v34 =	vbroadcast v2, $0xA;
	[tilespmem:$0x1FE20] =	vst v29  }
0x40: {  	v35 =	vbroadcast v3, $0xA;
	[tilespmem:$0x1FE30] =	vst v31  }
0x41: {  	v36 =	vbroadcast v4, $0xB;
	[tilespmem:$0x1FE40] =	vst v34  }
0x42: {  	[tilespmem:$0x1FE50] =	vst v35  }
0x43: {  	v45 =	vbroadcast v2, $0xB;
	[tilespmem:$0x1FE60] =	vst v36  }
0x44: {  	v48 =	vbroadcast v3, $0xB;
	[tilespmem:$0x1FE70] =	vst v41  }
0x45: {  	v49 =	vbroadcast v4, $0xC;
	[tilespmem:$0x1FE80] =	vst v45  }
0x46: {  	[tilespmem:$0x1FE90] =	vst v48  }
0x47: {  	v53 =	vbroadcast v2, $0xC;
	[tilespmem:$0x1FEA0] =	vst v49  }
0x48: {  	v54 =	vbroadcast v3, $0xC;
	[tilespmem:$0x1FEB0] =	vst v51  }
0x49: {  	v56 =	vbroadcast v4, $0xD;
	[tilespmem:$0x1FEC0] =	vst v53  }
0x4a: {  	[tilespmem:$0x1FED0] =	vst v54  }
0x4b: {  	v19 =	vbroadcast v2, $0xD;
	[tilespmem:$0x1FEE0] =	vst v56  }
0x4c: {  	v46 =	vbroadcast v4, $0x3;
	[tilespmem:$0x1FEF0] =	vst v58  }
0x4d: {  	v55 =	vbroadcast v3, $0x6;
	[tilespmem:$0x1FF00] =	vst v19  }
0x4e: {  	v47 =	vbroadcast v3, $0x4;
	[tilespmem:$0x1FF50] =	vst v46  }
0x4f: {  	v28 =	vbroadcast v2, $0x3;
	[tilespmem:$0x1FF60] =	vst v55  }
0x50: {  	v22 =	vbroadcast v4, $0x8;
	[tilespmem:$0x1FF70] =	vst v47  }
0x51: {  	[tilespmem:$0x1FF80] =	vst v28  }
0x52: {  	v33 =	vbroadcast v3, $0x9;
	[tilespmem:$0x1FF90] =	vst v22  }
0x53: {  	[tilespmem:$0x1FFA0] =	vst v38  }
0x54: {  	v25 =	vbroadcast v4, $0xA;
	[tilespmem:$0x1FFB0] =	vst v33  }
0x55: {  	[tilespmem:$0x1FFC0] =	vst v42  }
0x56: {  	v5 =	vbroadcast v3, $0xD;
	[tilespmem:$0x1FFD0] =	vst v25  }
0x57: {  	v61 =	vbroadcast v4, $0x7;
	v4 =	vbroadcast v4, $0xF;
	[tilespmem:$0x1FFE0] =	vst v50  }
0x58: {  	v60 =	vbroadcast v3, $0x3;
	[tilespmem:$0x1FD90] =	vst v5  }
0x59: {  	v59 =	vbroadcast v3, $0x8;
	[tilespmem:$0x1FDC0] =	vst v4  }
0x5a: {  	v6 =	vbroadcast v3, $0xE;
	[tilespmem:$0x1FDE0] =	vst v60  }
0x5b: {  	v62 =	vbroadcast v2, $0xE;
	[tilespmem:$0x1FDF0] =	vst v59  }
0x5c: {  	v63 =	vbroadcast v3, $0xF;
	[tilespmem:$0x1FF10] =	vst v6  }
0x5d: {  	v9 =	vbroadcast v2, $0xF;
	[tilespmem:$0x1FF20] =	vst v62  }
0x5e: {  	v39 =	vbroadcast v3, $0x2;
	[tilespmem:$0x1FF30] =	vst v63  }
0x5f: {  	s0 =	simm.s32 $0x0;
	v24 =	vbroadcast v3, $0x7;
	v43 =	vbroadcast v2, $0x9;
	[tilespmem:$0x1FF40] =	vst v9  }
.LBB2_2:
0x60: {  	s1 =	smul.u32 $0x7D0, s0;
	_ =	sdelay $0x1  }
0x61: {  	s1 =	sadd.s32 s13, s1  }
0x62: {  	s1 =	sshrl.u32 s1, $0x3  }
0x63: {  	s3 =	simm.s32 $0x0;
	s4 =	sadd.s32 s9, s1  }
0x64: {  	[tilespmem:s21], [sflag:$0x2] =	stream.linear.gather [hbm4b:s4+s3], $0x7D0, $0x38;
	[tilespmem:$0x167D0] =	vst v63  }
0x65: {  	s12 =	sadd.s32 s10, s1  }
0x66: {  	[tilespmem:s22], [sflag:$0x2] =	stream.linear.gather [hbm4b:s12+s3], $0x7D0, $0x38;
	[tilespmem:$0x167D0] =	vst v63  }
0x67: {  	s14 =	sadd.s32 s6, s1  }
0x68: {  	[tilespmem:s23], [sflag:$0x2] =	stream.linear.gather [hbm4b:s14+s3], $0x7D0, $0x38;
	[tilespmem:$0x167D0] =	vst v63  }
0x69: {  	s16 =	sadd.s32 s7, s1  }
0x6a: {  	[tilespmem:s24], [sflag:$0x2] =	stream.linear.gather [hbm4b:s16+s3], $0x7D0, $0x38;
	[tilespmem:$0x167D0] =	vst v63  }
0x6b: {  	s1 =	sadd.s32 s8, s1  }
0x6c: {  	[tilespmem:s25], [sflag:$0x2] =	stream.linear.gather [hbm4b:s1+s3], $0x7D0, $0x38;
	[tilespmem:$0x167D0] =	vst v63  }
0x6d: {  	_ =	swait.ge [sflag:s26], $0x7D0  }
0x6e: {  	[sflag:s26] =	ssyncset.done $0x0  }
0x6f: {  	[sflag:s26] =	ssyncadd.s32 $0xFFFFF830  }
0x70: {  	[tilespmem:s29], [sflag:$0x1] =	stream.indirect.gather [hbm4b:s5+s28], $0x8, s21, s28, $0xb8;
	[tilespmem:$0x167D0] =	vst v63  }
0x71: {  	_ =	swait.ge [sflag:s26], $0x7D0  }
0x72: {  	[sflag:s26] =	ssyncset.done $0x0  }
0x73: {  	[sflag:s26] =	ssyncadd.s32 $0xFFFFF830  }
0x74: {  	_ =	swait.ge [sflag:s26], $0x7D0  }
0x75: {  	[sflag:s26] =	ssyncset.done $0x0  }
0x76: {  	[sflag:s26] =	ssyncadd.s32 $0xFFFFF830  }
0x77: {  	_ =	swait.ge [sflag:s26], $0x7D0  }
0x78: {  	[sflag:s26] =	ssyncset.done $0x0  }
0x79: {  	[sflag:s26] =	ssyncadd.s32 $0xFFFFF830  }
0x7a: {  	_ =	swait.ge [sflag:s26], $0x7D0  }
0x7b: {  	[sflag:s26] =	ssyncset.done $0x0  }
0x7c: {  	[sflag:s26] =	ssyncadd.s32 $0xFFFFF830  }
0x7d: {  	_ =	swait.ge [sflag:s30], $0x3E80  }
0x7e: {  	s4 =	simm.s32 $0xCBB0;
	s12 =	simm.s32 $0xD380;
	[sflag:s30] =	ssyncset.done $0x0  }
0x7f: {  	s16 =	simm.s32 $0xC3E0;
	s1 =	simm.s32 $0xFFFFFFFC;
	[sflag:s30] =	ssyncadd.s32 $0xFFFFC180  }
.LBB2_3:
0x80: {  	v4 =	vld [tilespmem:s16+$0xFFFFFFE0]  }
0x81: {  	v5 =	vld [tilespmem:s4+$0xFFFFFFE0]  }
0x82: {  	v6 =	vld [tilespmem:s12+$0xFFFFFFE0]  }
0x83: {  	v34 =	vld [tilespmem:$0x1FFF0]  }
0x84: {  	v54 =	vld [tilespmem:$0x1FC50]  }
0x85: {  	v0 =	vld [tilespmem:$0x1FC60]  }
0x86: {  	v53 =	vld [tilespmem:$0x1FC90]  }
0x87: {  	v16 =	vmov v28;
	v28 =	vld [tilespmem:$0x1FCA0]  }
0x88: {  	v36 =	vld [tilespmem:$0x1FCD0]  }
0x89: {  	v13 =	vld [tilespmem:$0x1FC70]  }
0x8a: {  	v21 =	vmov v38;
	v1 =	vmov s3;
	v38 =	vld [tilespmem:$0x1FCE0]  }
0x8b: {  	v20 =	vmov v29;
	v29 =	vld [tilespmem:$0x1FCB0];
	v1 =	vshll.u32 v1, $0x3  }
0x8c: {  	v17 =	vmovc v31;
	v31 =	vld [tilespmem:$0x1FC80];
	v3 =	vor.u32 v34, v1;
	v7 =	vmul.f32 v4, v54;
	v8 =	vmul.f32 v5, v0  }
0x8d: {  	v18 =	vld [tilespmem:$0x1FCC0];
	v58 =	vmul.f32 v4, v36;
	v11 =	vmul.f32 v5, v42;
	v2 =	vor.u32 $0x1, v3  }
0x8e: {  	v45 =	vld [tilespmem:$0x1FD10];
	v9 =	vmul.f32 v4, v53  }
0x8f: {  	v56 =	vld [tilespmem:$0x1FD30];
	v63 =	vmul.f32 v6, v38;
	v7 =	vadd.f32 v8, v7;
	v8 =	vadd.f32 v11, v58  }
0x90: {  	v41 =	vmovc v44;
	v10 =	vmul.f32 v5, v28;
	v35 =	vmul.f32 v5, v44;
	v44 =	vld [tilespmem:$0x1FD20];
	v1 =	vor.u32 $0x2, v3  }
0x91: {  	v13 =	vmul.f32 v6, v13;
	v8 =	vadd.f32 v63, v8;
	v12 =	vld.idx.msk [tilespmem:v3+s29+$0x0], $0xffff  }
0x92: {  	v62 =	vmul.f32 v6, v29;
	v9 =	vadd.f32 v10, v9;
	v14 =	vld.idx.msk [tilespmem:v2+s29+$0x0], $0xffff  }
0x93: {  	v30 =	vmov v39;
	v7 =	vadd.f32 v13, v7;
	v8 =	vadd.f32 v8, v39;
	v39 =	vld [tilespmem:$0x1FCF0]  }
0x94: {  	v32 =	vmul.f32 v4, v46;
	v46 =	vld [tilespmem:$0x1FD00];
	v9 =	vadd.f32 v62, v9  }
0x95: {  	v15 =	vld.idx.msk [tilespmem:v1+s29+$0x0], $0xffff;
	v7 =	vadd.f32 v7, v31  }
0x96: {  	v17 =	vmul.f32 v5, v17;
	v48 =	vmul.f32 v4, v45;
	v9 =	vadd.f32 v9, v18  }
0x97: {  	v18 =	vmul.f32 v5, v44;
	v7 =	vmul.f32 v7, v12  }
0x98: {  	v9 =	vmul.f32 v9, v14;
	v40 =	vmul.f32 v4, v39  }
0x99: {  	v58 =	vmul.f32 v6, v56;
	v51 =	vmul.f32 v6, v46;
	v13 =	vadd.f32 v18, v48;
	v48 =	vld [tilespmem:$0x1FD50]  }
0x9a: {  	v8 =	vmul.f32 v15, v8;
	v7 =	vadd.f32 v9, v7;
	v49 =	vadd.f32 v17, v40  }
0x9b: {  	v16 =	vmul.f32 v6, v16;
	v13 =	vadd.f32 v58, v13;
	v58 =	vld [tilespmem:$0x1FD80]  }
0x9c: {  	v42 =	vmul.f32 v4, v22;
	v7 =	vadd.f32 v7, v8;
	v8 =	vadd.f32 v51, v49;
	v49 =	vld [tilespmem:$0x1FD60]  }
0x9d: {  	v10 =	vadd.f32 v35, v32;
	v62 =	vmul.f32 v4, v20;
	v20 =	vmul.f32 v5, v37  }
0x9e: {  	v19 =	vmov v47;
	v47 =	vmul.f32 v4, v57;
	v63 =	vmul.f32 v5, v48  }
0x9f: {  	v21 =	vmul.f32 v5, v21;
	v10 =	vadd.f32 v16, v10;
	v16 =	vadd.f32 v20, v42  }
0xa0: {  	v23 =	vld [tilespmem:$0x1FE60];
	v9 =	vadd.f32 v63, v62;
	v20 =	vmul.f32 v6, v58;
	v8 =	vadd.f32 v8, v19  }
0xa1: {  	v57 =	vmovc v53;
	v53 =	vld [tilespmem:$0x1FD70];
	v19 =	vadd.f32 v21, v47;
	v21 =	vmul.f32 v6, v43;
	v32 =	vmul.f32 v6, v49  }
0xa2: {  	v11 =	vor.u32 $0x3, v3;
	v51 =	vld [tilespmem:$0x1FD40];
	v16 =	vadd.f32 v20, v16;
	v20 =	vmul.f32 v4, v25  }
0xa3: {  	v26 =	vld [tilespmem:$0x1FDB0];
	v19 =	vadd.f32 v21, v19;
	v21 =	vmul.f32 v5, v50;
	v9 =	vadd.f32 v32, v9  }
0xa4: {  	v27 =	vld [tilespmem:$0x1FF20];
	v35 =	vmul.f32 v4, v61;
	v40 =	vmul.f32 v5, v52  }
0xa5: {  	v9 =	vadd.f32 v9, v55;
	v55 =	vadd.f32 v21, v20;
	v20 =	vld [tilespmem:$0x1FE40]  }
0xa6: {  	v22 =	vmul.f32 v6, v53;
	v10 =	vadd.f32 v10, v60;
	v60 =	vld [tilespmem:$0x1FE70];
	v18 =	vadd.f32 v40, v35  }
0xa7: {  	v17 =	vld.idx.msk [tilespmem:v11+s29+$0x0], $0xffff;
	v13 =	vadd.f32 v13, v51  }
0xa8: {  	v18 =	vadd.f32 v22, v18;
	v16 =	vadd.f32 v16, v59;
	v59 =	vld [tilespmem:$0x1FEA0]  }
0xa9: {  	v8 =	vmul.f32 v8, v12;
	v13 =	vmul.f32 v13, v14;
	v21 =	vld [tilespmem:$0x1FEB0]  }
0xaa: {  	v62 =	vld [tilespmem:$0x1FEC0];
	v18 =	vadd.f32 v18, v24;
	v19 =	vadd.f32 v19, v33;
	v20 =	vmul.f32 v6, v20  }
0xab: {  	v22 =	vld [tilespmem:$0x1FEF0];
	v8 =	vadd.f32 v13, v8;
	v9 =	vmul.f32 v15, v9  }
0xac: {  	v13 =	vmul.f32 v17, v18;
	v18 =	vmul.f32 v19, v14;
	v19 =	vadd.f32 v20, v55;
	v20 =	vld [tilespmem:$0x1FEE0]  }
0xad: {  	v35 =	vld [tilespmem:$0x1FF00];
	v8 =	vadd.f32 v8, v9;
	v9 =	vmul.f32 v4, v59  }
0xae: {  	v59 =	vmov v24;
	v24 =	vmul.f32 v5, v60;
	v60 =	vld [tilespmem:$0x1FDA0];
	v21 =	vmul.f32 v5, v21  }
0xaf: {  	v40 =	vld [tilespmem:$0x1FED0]  }
0xb0: {  	v23 =	vmul.f32 v4, v23;
	v63 =	vld [tilespmem:$0x1FE80];
	v9 =	vadd.f32 v21, v9;
	v21 =	vmul.f32 v6, v62  }
0xb1: {  	v47 =	vld [tilespmem:$0x1FE50];
	v22 =	vmul.f32 v5, v22;
	v20 =	vmul.f32 v4, v20  }
0xb2: {  	v25 =	vmul.f32 v5, v26;
	v32 =	vld [tilespmem:$0x1FDD0];
	v23 =	vadd.f32 v24, v23;
	v9 =	vadd.f32 v21, v9  }
0xb3: {  	v55 =	vld [tilespmem:$0x1FDC0];
	v24 =	vmul.f32 v4, v60;
	v20 =	vadd.f32 v22, v20;
	v22 =	vmul.f32 v6, v35  }
0xb4: {  	v62 =	vld [tilespmem:$0x1FF10];
	v9 =	vadd.f32 v9, v40  }
0xb5: {  	v21 =	vmul.f32 v6, v27;
	v40 =	vld [tilespmem:$0x1FF40];
	v20 =	vadd.f32 v22, v20;
	v22 =	vadd.f32 v25, v24;
	_ =	sdelay $0x1  }
0xb6: {  	v24 =	vmul.f32 v6, v63;
	v63 =	vld [tilespmem:$0x1FD90];
	v21 =	vadd.f32 v21, v22  }
0xb7: {  	v50 =	vadd.f32 v19, v47  }
0xb8: {  	v5 =	vmul.f32 v5, v32;
	v4 =	vmul.f32 v4, v55;
	v47 =	vadd.f32 v21, v62  }
0xb9: {  	v42 =	vmul.f32 v6, v40;
	v6 =	vmul.f32 v15, v50;
	v50 =	vld [tilespmem:$0x1FE90]  }
0xba: {  	v33 =	vmovc v28;
	v28 =	vmovc v54;
	v54 =	vmov v29;
	v29 =	vmov v0;
	v0 =	vmul.f32 v15, v47;
	v47 =	vld [tilespmem:$0x1FF30]  }
0xbb: {  	v4 =	vadd.f32 v5, v4;
	v20 =	vadd.f32 v20, v63  }
0xbc: {  	v16 =	vmul.f32 v16, v12;
	v52 =	vadd.f32 v24, v23  }
0xbd: {  	v9 =	vmul.f32 v9, v12;
	v4 =	vadd.f32 v42, v4;
	v12 =	vmul.f32 v20, v14  }
0xbe: {  	v10 =	vmul.f32 v17, v10;
	v42 =	vadd.f32 v18, v16;
	v52 =	vadd.f32 v52, v50  }
0xbf: {  	v9 =	vadd.f32 v12, v9;
	v4 =	vadd.f32 v4, v47  }
0xc0: {  	v7 =	vadd.f32 v7, v10;
	v5 =	vadd.f32 v42, v6;
	v16 =	vmul.f32 v17, v52  }
0xc1: {  	v8 =	vadd.f32 v8, v13;
	v9 =	vadd.f32 v9, v0;
	v4 =	vmul.f32 v17, v4  }
0xc2: {  	[tilespmem:v3+s18+$0x0] =	vst.idx.msk $0xffff, v7;
	v17 =	vadd.f32 v5, v16  }
0xc3: {  	[tilespmem:v2+s18+$0x0] =	vst.idx.msk $0xffff, v8;
	v18 =	vadd.f32 v9, v4  }
0xc4: {  	[tilespmem:v1+s18+$0x0] =	vst.idx.msk $0xffff, v17  }
0xc5: {  	[tilespmem:v11+s18+$0x0] =	vst.idx.msk $0xffff, v18  }
0xc6: {  	v4 =	vld [tilespmem:s16+$0xFFFFFFF0]  }
0xc7: {  	v5 =	vld [tilespmem:s4+$0xFFFFFFF0]  }
0xc8: {  	s14 =	sadd.s32 $0x10, s3  }
0xc9: {  	v19 =	vmov s14  }
0xca: {  	v56 =	vmovc v61;
	v61 =	vmov v37;
	v37 =	vmov v34;
	v1 =	vshll.u32 v19, $0x3  }
0xcb: {  	v3 =	vor.u32 v37, v1;
	v18 =	vld [tilespmem:$0x1FFC0]  }
0xcc: {  	v42 =	vmul.f32 v4, v28;
	v50 =	vmul.f32 v5, v29  }
0xcd: {  	v6 =	vld [tilespmem:s12+$0xFFFFFFF0]  }
0xce: {  	v7 =	vadd.f32 v50, v42;
	v42 =	vld [tilespmem:$0x1FC70]  }
0xcf: {  	v2 =	vor.u32 $0x1, v3  }
0xd0: {  	v12 =	vld.idx.msk [tilespmem:v3+s29+$0x0], $0xffff;
	v17 =	vmul.f32 v4, v36;
	v19 =	vmul.f32 v5, v18  }
0xd1: {  	v52 =	vmul.f32 v4, v57;
	v16 =	vmul.f32 v5, v33;
	v18 =	vld [tilespmem:$0x1FCC0]  }
0xd2: {  	v1 =	vor.u32 $0x2, v3;
	v8 =	vadd.f32 v19, v17;
	v19 =	vld [tilespmem:$0x1FF50]  }
0xd3: {  	v9 =	vadd.f32 v16, v52;
	v52 =	vmul.f32 v6, v54;
	v50 =	vmul.f32 v6, v42;
	v42 =	vld [tilespmem:$0x1FF80]  }
0xd4: {  	v14 =	vld.idx.msk [tilespmem:v2+s29+$0x0], $0xffff;
	v0 =	vmul.f32 v6, v38  }
0xd5: {  	v9 =	vadd.f32 v52, v9;
	v7 =	vadd.f32 v50, v7  }
0xd6: {  	v13 =	vmul.f32 v5, v41;
	v8 =	vadd.f32 v0, v8;
	v0 =	vmul.f32 v4, v45;
	v50 =	vld [tilespmem:$0x1FE30]  }
0xd7: {  	v15 =	vld.idx.msk [tilespmem:v1+s29+$0x0], $0xffff;
	v9 =	vadd.f32 v9, v18;
	v10 =	vmul.f32 v4, v19;
	v7 =	vadd.f32 v7, v31  }
0xd8: {  	v16 =	vmul.f32 v6, v42;
	v42 =	vmul.f32 v5, v44  }
0xd9: {  	v8 =	vadd.f32 v8, v30;
	v9 =	vmul.f32 v9, v14;
	v7 =	vmul.f32 v7, v12  }
0xda: {  	v10 =	vadd.f32 v13, v10;
	v13 =	vadd.f32 v42, v0;
	v42 =	vld [tilespmem:$0x1FE20]  }
0xdb: {  	v52 =	vmul.f32 v5, v50;
	v7 =	vadd.f32 v9, v7;
	v9 =	vmul.f32 v4, v39  }
0xdc: {  	v8 =	vmul.f32 v15, v8  }
0xdd: {  	v50 =	vadd.f32 v52, v9;
	v52 =	vmul.f32 v6, v46  }
0xde: {  	v7 =	vadd.f32 v7, v8  }
0xdf: {  	v8 =	vadd.f32 v52, v50;
	v50 =	vmul.f32 v4, v42;
	v52 =	vmul.f32 v5, v48;
	_ =	sdelay $0x1  }
0xe0: {  	v9 =	vadd.f32 v52, v50;
	v50 =	vld [tilespmem:$0x1FE10]  }
0xe1: {  	v19 =	vld [tilespmem:$0x1FD30];
	_ =	sdelay $0x3  }
0xe2: {  	v42 =	vmul.f32 v4, v56;
	v52 =	vmul.f32 v5, v50  }
0xe3: {  	v10 =	vadd.f32 v16, v10;
	v16 =	vmul.f32 v6, v19  }
0xe4: {  	v18 =	vadd.f32 v52, v42;
	v42 =	vld [tilespmem:$0x1FE00]  }
0xe5: {  	v13 =	vadd.f32 v16, v13;
	v16 =	vmul.f32 v6, v49  }
0xe6: {  	v52 =	vld [tilespmem:$0x1FFA0]  }
0xe7: {  	v9 =	vadd.f32 v16, v9;
	v16 =	vld [tilespmem:$0x1FF90]  }
0xe8: {  	v19 =	vld [tilespmem:$0x1FF70]  }
0xe9: {  	v50 =	vmul.f32 v4, v42;
	v42 =	vld [tilespmem:$0x1FF60];
	_ =	sdelay $0x1  }
0xea: {  	v21 =	vmul.f32 v5, v52  }
0xeb: {  	v11 =	vor.u32 $0x3, v3;
	v20 =	vmul.f32 v5, v61;
	v16 =	vmul.f32 v4, v16  }
0xec: {  	v8 =	vadd.f32 v8, v19;
	v19 =	vadd.f32 v21, v50;
	v50 =	vld [tilespmem:$0x1FDF0]  }
0xed: {  	v16 =	vadd.f32 v20, v16;
	v20 =	vmul.f32 v6, v58;
	v9 =	vadd.f32 v9, v42;
	v42 =	vld [tilespmem:$0x1FFD0]  }
0xee: {  	v52 =	vld [tilespmem:$0x1FFB0]  }
0xef: {  	v16 =	vadd.f32 v20, v16;
	v21 =	vmul.f32 v6, v43  }
0xf0: {  	v17 =	vld.idx.msk [tilespmem:v11+s29+$0x0], $0xffff;
	v13 =	vadd.f32 v13, v51  }
0xf1: {  	v22 =	vmul.f32 v6, v53;
	v19 =	vadd.f32 v21, v19;
	v16 =	vadd.f32 v16, v50;
	v50 =	vld [tilespmem:$0x1FFE0]  }
0xf2: {  	v13 =	vmul.f32 v13, v14;
	v20 =	vmul.f32 v4, v42;
	v42 =	vld [tilespmem:$0x1FEA0]  }
0xf3: {  	v8 =	vmul.f32 v8, v12;
	v18 =	vadd.f32 v22, v18;
	v19 =	vadd.f32 v19, v52;
	v52 =	vld [tilespmem:$0x1FE40];
	_ =	sdelay $0x1  }
0xf4: {  	v8 =	vadd.f32 v13, v8;
	v18 =	vadd.f32 v18, v59;
	v9 =	vmul.f32 v15, v9  }
0xf5: {  	v21 =	vmul.f32 v5, v50;
	v50 =	vld [tilespmem:$0x1FEB0]  }
0xf6: {  	v13 =	vmul.f32 v17, v18;
	v8 =	vadd.f32 v8, v9;
	v9 =	vmul.f32 v4, v42;
	v42 =	vld [tilespmem:$0x1FEF0]  }
0xf7: {  	v18 =	vmul.f32 v19, v14;
	v19 =	vadd.f32 v21, v20;
	v20 =	vmul.f32 v6, v52;
	v52 =	vld [tilespmem:$0x1FEE0];
	_ =	sdelay $0x2  }
0xf8: {  	v21 =	vmul.f32 v5, v50;
	v50 =	vld [tilespmem:$0x1FE60]  }
0xf9: {  	v22 =	vmul.f32 v5, v42;
	v42 =	vld [tilespmem:$0x1FEC0]  }
0xfa: {  	v19 =	vadd.f32 v20, v19;
	v20 =	vmul.f32 v4, v52;
	v52 =	vld [tilespmem:$0x1FE70];
	_ =	sdelay $0x2  }
0xfb: {  	v23 =	vmul.f32 v4, v50;
	v50 =	vld [tilespmem:$0x1FE80]  }
0xfc: {  	v9 =	vadd.f32 v21, v9;
	v21 =	vmul.f32 v6, v42;
	v42 =	vld [tilespmem:$0x1FE50]  }
0xfd: {  	v24 =	vmul.f32 v5, v52  }
0xfe: {  	v20 =	vadd.f32 v22, v20;
	v22 =	vmul.f32 v6, v35  }
0xff: {  	v25 =	vmul.f32 v5, v26;
	v0 =	vld [tilespmem:$0x1FDE0];
	v23 =	vadd.f32 v24, v23;
	v24 =	vmul.f32 v4, v60  }
0x100: {  	v20 =	vadd.f32 v22, v20;
	v5 =	vmul.f32 v5, v32;
	v52 =	vld [tilespmem:$0x1FED0];
	v4 =	vmul.f32 v4, v55  }
0x101: {  	v22 =	vadd.f32 v25, v24;
	v24 =	vmul.f32 v6, v50;
	v50 =	vadd.f32 v19, v42  }
0x102: {  	v9 =	vadd.f32 v21, v9;
	v21 =	vmul.f32 v6, v27  }
0x103: {  	v4 =	vadd.f32 v5, v4;
	v5 =	vmul.f32 v6, v40;
	v6 =	vmul.f32 v15, v50;
	v50 =	vld [tilespmem:$0x1FE90]  }
0x104: {  	v10 =	vadd.f32 v10, v0;
	v20 =	vadd.f32 v20, v63  }
0x105: {  	v9 =	vadd.f32 v9, v52;
	v21 =	vadd.f32 v21, v22  }
0x106: {  	v16 =	vmul.f32 v16, v12;
	v52 =	vadd.f32 v24, v23;
	v4 =	vadd.f32 v5, v4  }
0x107: {  	v9 =	vmul.f32 v9, v12;
	v12 =	vmul.f32 v20, v14;
	v14 =	vadd.f32 v21, v62  }
0x108: {  	v10 =	vmul.f32 v17, v10;
	v42 =	vadd.f32 v18, v16;
	v52 =	vadd.f32 v52, v50  }
0x109: {  	v4 =	vadd.f32 v4, v47;
	v9 =	vadd.f32 v12, v9;
	v0 =	vmul.f32 v15, v14  }
0x10a: {  	v7 =	vadd.f32 v7, v10;
	v5 =	vadd.f32 v42, v6;
	v16 =	vmul.f32 v17, v52  }
0x10b: {  	v8 =	vadd.f32 v8, v13;
	v4 =	vmul.f32 v17, v4;
	v9 =	vadd.f32 v9, v0  }
0x10c: {  	[tilespmem:v3+s18+$0x0] =	vst.idx.msk $0xffff, v7;
	v17 =	vadd.f32 v5, v16  }
0x10d: {  	[tilespmem:v2+s18+$0x0] =	vst.idx.msk $0xffff, v8;
	v18 =	vadd.f32 v9, v4  }
0x10e: {  	[tilespmem:v1+s18+$0x0] =	vst.idx.msk $0xffff, v17  }
0x10f: {  	[tilespmem:v11+s18+$0x0] =	vst.idx.msk $0xffff, v18  }
0x110: {  	v1 =	vld [tilespmem:s16+$0x0]  }
0x111: {  	v2 =	vld [tilespmem:s4+$0x0];
	_ =	sdelay $0x4  }
0x112: {  	v34 =	vmovc v30;
	v30 =	vmovc v27;
	v27 =	vmov v47;
	v42 =	vmul.f32 v1, v28;
	v47 =	vmul.f32 v2, v29  }
0x113: {  	v12 =	vld [tilespmem:$0x1FC70]  }
0x114: {  	v50 =	vmul.f32 v1, v57;
	v52 =	vmul.f32 v2, v33;
	v5 =	vadd.f32 v47, v42;
	v42 =	vld [tilespmem:$0x1FE30]  }
0x115: {  	v16 =	vld [tilespmem:$0x1FFC0]  }
0x116: {  	s14 =	sadd.s32 $0x20, s3;
	v3 =	vld [tilespmem:s12+$0x0];
	v7 =	vadd.f32 v52, v50;
	v50 =	vmul.f32 v1, v45;
	v52 =	vmul.f32 v2, v44  }
0x117: {  	v19 =	vmov s14  }
0x118: {  	v4 =	vshll.u32 v19, $0x3;
	v8 =	vadd.f32 v52, v50;
	v50 =	vld [tilespmem:$0x1FE20]  }
0x119: {  	v4 =	vor.u32 v37, v4;
	v47 =	vmul.f32 v2, v42;
	v42 =	vld [tilespmem:$0x1FD30]  }
0x11a: {  	v19 =	vld [tilespmem:$0x1FCC0];
	v9 =	vor.u32 $0x1, v4;
	v15 =	vmul.f32 v1, v36;
	v17 =	vmul.f32 v2, v16  }
0x11b: {  	v13 =	vmul.f32 v3, v12;
	v14 =	vmul.f32 v3, v54  }
0x11c: {  	v18 =	vmul.f32 v3, v38;
	v12 =	vmul.f32 v1, v39;
	v6 =	vadd.f32 v17, v15  }
0x11d: {  	v0 =	vmul.f32 v2, v48;
	v5 =	vadd.f32 v13, v5;
	v7 =	vadd.f32 v14, v7  }
0x11e: {  	v11 =	vld.idx.msk [tilespmem:v4+s29+$0x0], $0xffff;
	v12 =	vadd.f32 v47, v12;
	v52 =	vmul.f32 v1, v50;
	v47 =	vmul.f32 v3, v42  }
0x11f: {  	v14 =	vld.idx.msk [tilespmem:v9+s29+$0x0], $0xffff;
	v6 =	vadd.f32 v18, v6;
	v13 =	vmul.f32 v3, v46;
	v7 =	vadd.f32 v7, v19  }
0x120: {  	v19 =	vmul.f32 v3, v49;
	v18 =	vadd.f32 v0, v52;
	v8 =	vadd.f32 v47, v8;
	v47 =	vld [tilespmem:$0x1FF50]  }
0x121: {  	v10 =	vor.u32 $0x2, v4;
	v5 =	vadd.f32 v5, v31;
	v42 =	vld [tilespmem:$0x1FF70]  }
0x122: {  	v12 =	vadd.f32 v13, v12;
	v13 =	vadd.f32 v19, v18;
	v19 =	vld [tilespmem:$0x1FF80];
	_ =	sdelay $0x1  }
0x123: {  	v5 =	vmul.f32 v5, v11;
	v7 =	vmul.f32 v7, v14  }
0x124: {  	v52 =	vmul.f32 v2, v41;
	v18 =	vld [tilespmem:$0x1FF60];
	v50 =	vmul.f32 v1, v47  }
0x125: {  	v16 =	vld.idx.msk [tilespmem:v10+s29+$0x0], $0xffff;
	v5 =	vadd.f32 v7, v5  }
0x126: {  	v12 =	vadd.f32 v12, v42;
	v42 =	vmul.f32 v3, v19;
	v7 =	vadd.f32 v52, v50  }
0x127: {  	v8 =	vadd.f32 v8, v51  }
0x128: {  	v6 =	vadd.f32 v6, v34;
	v7 =	vadd.f32 v42, v7;
	v42 =	vld [tilespmem:$0x1FF90]  }
0x129: {  	v8 =	vmul.f32 v8, v14;
	v13 =	vadd.f32 v13, v18;
	v18 =	vld [tilespmem:$0x1FE10];
	v12 =	vmul.f32 v12, v11  }
0x12a: {  	v6 =	vmul.f32 v16, v6  }
0x12b: {  	v47 =	vadd.f32 v8, v12;
	v50 =	vmul.f32 v16, v13  }
0x12c: {  	v5 =	vadd.f32 v5, v6  }
0x12d: {  	v6 =	vadd.f32 v47, v50;
	v50 =	vmul.f32 v2, v61;
	v47 =	vmul.f32 v1, v42  }
0x12e: {  	v15 =	vld [tilespmem:$0x1FE00];
	v52 =	vmul.f32 v1, v56;
	v19 =	vmul.f32 v2, v18  }
0x12f: {  	v8 =	vadd.f32 v50, v47;
	v47 =	vld [tilespmem:$0x1FFD0]  }
0x130: {  	v12 =	vadd.f32 v19, v52;
	v52 =	vmul.f32 v3, v53;
	v19 =	vld [tilespmem:$0x1FFA0];
	_ =	sdelay $0x1  }
0x131: {  	v12 =	vadd.f32 v52, v12;
	v52 =	vld [tilespmem:$0x1FFE0];
	_ =	sdelay $0x1  }
0x132: {  	v50 =	vmul.f32 v1, v47;
	v47 =	vld [tilespmem:$0x1FE40]  }
0x133: {  	v15 =	vmul.f32 v1, v15;
	v42 =	vmul.f32 v2, v19;
	_ =	sdelay $0x1  }
0x134: {  	v20 =	vmul.f32 v2, v52;
	v15 =	vadd.f32 v42, v15;
	v42 =	vmul.f32 v3, v43  }
0x135: {  	v52 =	vld [tilespmem:$0x1FE60]  }
0x136: {  	v15 =	vadd.f32 v42, v15;
	v42 =	vld [tilespmem:$0x1FE70];
	v13 =	vadd.f32 v20, v50;
	v50 =	vmul.f32 v3, v47  }
0x137: {  	v47 =	vld [tilespmem:$0x1FE80]  }
0x138: {  	v13 =	vadd.f32 v50, v13;
	v50 =	vld [tilespmem:$0x1FEA0]  }
0x139: {  	v18 =	vmul.f32 v3, v58;
	_ =	sdelay $0x1  }
0x13a: {  	v8 =	vadd.f32 v18, v8;
	v18 =	vmul.f32 v2, v42;
	v42 =	vld [tilespmem:$0x1FEB0]  }
0x13b: {  	v21 =	vmul.f32 v3, v47;
	v47 =	vld [tilespmem:$0x1FEE0]  }
0x13c: {  	v20 =	vmul.f32 v1, v52;
	v52 =	vmul.f32 v1, v50;
	v50 =	vld [tilespmem:$0x1FEF0];
	_ =	sdelay $0x2  }
0x13d: {  	v17 =	vor.u32 $0x3, v4  }
0x13e: {  	v24 =	vmul.f32 v3, v35;
	v22 =	vmul.f32 v2, v42  }
0x13f: {  	v18 =	vadd.f32 v18, v20;
	v20 =	vmul.f32 v1, v47;
	v23 =	vmul.f32 v2, v50  }
0x140: {  	v19 =	vadd.f32 v22, v52;
	v52 =	vld [tilespmem:$0x1FEC0]  }
0x141: {  	v35 =	vld [tilespmem:$0x1FFB0];
	v20 =	vadd.f32 v23, v20  }
0x142: {  	v25 =	vld.idx.msk [tilespmem:v17+s29+$0x0], $0xffff  }
0x143: {  	v20 =	vadd.f32 v24, v20;
	v24 =	vmov v59;
	v59 =	vld [tilespmem:$0x1FDF0]  }
0x144: {  	v26 =	vmul.f32 v2, v26  }
0x145: {  	v2 =	vmul.f32 v2, v32;
	v22 =	vmul.f32 v3, v52  }
0x146: {  	v0 =	vmovc v43;
	v23 =	vmul.f32 v1, v60;
	v60 =	vld [tilespmem:$0x1FDE0];
	v1 =	vmul.f32 v1, v55;
	v12 =	vadd.f32 v12, v24  }
0x147: {  	v43 =	vmovc v45;
	v45 =	vld [tilespmem:$0x1FED0];
	v19 =	vadd.f32 v22, v19;
	v22 =	vmul.f32 v3, v30;
	v50 =	vadd.f32 v20, v63  }
0x148: {  	v30 =	vmovc v32;
	v20 =	vld [tilespmem:$0x1FE50];
	v32 =	vadd.f32 v8, v59;
	v8 =	vmul.f32 v25, v12;
	v12 =	vadd.f32 v15, v35  }
0x149: {  	v18 =	vadd.f32 v21, v18;
	v21 =	vadd.f32 v26, v23;
	v3 =	vmul.f32 v3, v40  }
0x14a: {  	v1 =	vadd.f32 v2, v1;
	v12 =	vmul.f32 v12, v14;
	v14 =	vmul.f32 v50, v14;
	v50 =	vld [tilespmem:$0x1FE90]  }
0x14b: {  	v21 =	vadd.f32 v22, v21;
	v7 =	vadd.f32 v7, v60  }
0x14c: {  	v1 =	vadd.f32 v3, v1;
	v15 =	vadd.f32 v19, v45  }
0x14d: {  	v2 =	vmul.f32 v25, v7;
	v7 =	vmul.f32 v32, v11;
	v13 =	vadd.f32 v13, v20  }
0x14e: {  	v1 =	vadd.f32 v1, v27;
	v19 =	vadd.f32 v21, v62;
	v11 =	vmul.f32 v15, v11  }
0x14f: {  	v35 =	vadd.f32 v12, v7;
	v45 =	vmul.f32 v16, v13;
	v12 =	vadd.f32 v18, v50  }
0x150: {  	v32 =	vmovc v40;
	v40 =	vmov v62;
	v11 =	vadd.f32 v14, v11;
	v62 =	vmul.f32 v16, v19  }
0x151: {  	v2 =	vadd.f32 v5, v2;
	v3 =	vadd.f32 v35, v45;
	v5 =	vmul.f32 v25, v12  }
0x152: {  	v1 =	vmul.f32 v25, v1;
	v6 =	vadd.f32 v6, v8;
	v7 =	vadd.f32 v11, v62  }
0x153: {  	[tilespmem:v4+s18+$0x0] =	vst.idx.msk $0xffff, v2;
	v12 =	vadd.f32 v3, v5  }
0x154: {  	[tilespmem:v9+s18+$0x0] =	vst.idx.msk $0xffff, v6;
	v1 =	vadd.f32 v7, v1  }
0x155: {  	[tilespmem:v10+s18+$0x0] =	vst.idx.msk $0xffff, v12  }
0x156: {  	[tilespmem:v17+s18+$0x0] =	vst.idx.msk $0xffff, v1  }
0x157: {  	v3 =	vld [tilespmem:s16+$0x10]  }
0x158: {  	v4 =	vld [tilespmem:s4+$0x10]  }
0x159: {  	s14 =	sadd.s32 $0x30, s3;
	v11 =	vld [tilespmem:$0x1FC70]  }
0x15a: {  	v13 =	vmov s14;
	v5 =	vld [tilespmem:s12+$0x10]  }
0x15b: {  	v1 =	vshll.u32 v13, $0x3  }
0x15c: {  	v2 =	vor.u32 v37, v1  }
0x15d: {  	v42 =	vmovc v57;
	v47 =	vld [tilespmem:$0x1FFC0];
	v1 =	vor.u32 $0x1, v2;
	v15 =	vmul.f32 v3, v28;
	v16 =	vmul.f32 v4, v29  }
0x15e: {  	v52 =	vld [tilespmem:$0x1FE20];
	v17 =	vmul.f32 v3, v42;
	v33 =	vmul.f32 v4, v33  }
0x15f: {  	v14 =	vld [tilespmem:$0x1FE30];
	v37 =	vmul.f32 v5, v11;
	v42 =	vmul.f32 v5, v54;
	v6 =	vadd.f32 v16, v15  }
0x160: {  	v35 =	vld [tilespmem:$0x1FCC0];
	v12 =	vor.u32 $0x2, v2  }
0x161: {  	v10 =	vld.idx.msk [tilespmem:v2+s29+$0x0], $0xffff;
	v38 =	vmul.f32 v5, v38;
	v8 =	vadd.f32 v33, v17;
	v6 =	vadd.f32 v37, v6  }
0x162: {  	v11 =	vld.idx.msk [tilespmem:v1+s29+$0x0], $0xffff;
	v17 =	vmul.f32 v3, v36;
	v37 =	vmul.f32 v4, v47  }
0x163: {  	v18 =	vld [tilespmem:$0x1FD30];
	v16 =	vadd.f32 v42, v8;
	v42 =	vmovc v47;
	v47 =	vmul.f32 v3, v39;
	v6 =	vadd.f32 v6, v31  }
0x164: {  	v8 =	vadd.f32 v37, v17;
	v31 =	vmovc v14;
	v14 =	vmul.f32 v4, v14;
	v37 =	vmul.f32 v3, v43  }
0x165: {  	v13 =	vld.idx.msk [tilespmem:v12+s29+$0x0], $0xffff;
	v7 =	vadd.f32 v16, v35;
	v43 =	vmul.f32 v5, v46;
	v46 =	vmul.f32 v3, v52  }
0x166: {  	v45 =	vld [tilespmem:$0x1FF50];
	v6 =	vmul.f32 v6, v10;
	v8 =	vadd.f32 v38, v8;
	v38 =	vmul.f32 v4, v44  }
0x167: {  	v23 =	vmovc v55;
	v55 =	vld [tilespmem:$0x1FF70];
	v7 =	vmul.f32 v7, v11;
	v9 =	vadd.f32 v14, v47;
	v47 =	vmul.f32 v4, v48  }
0x168: {  	v22 =	vld [tilespmem:$0x1FF80];
	v44 =	vmul.f32 v5, v18;
	v8 =	vadd.f32 v8, v34;
	v15 =	vadd.f32 v38, v37  }
0x169: {  	v19 =	vld [tilespmem:$0x1FF60];
	v33 =	vmul.f32 v5, v49;
	v6 =	vadd.f32 v7, v6;
	v14 =	vadd.f32 v47, v46  }
0x16a: {  	v20 =	vld [tilespmem:$0x1FF90];
	v29 =	vmovc v52;
	v7 =	vmul.f32 v13, v8;
	v8 =	vadd.f32 v43, v9;
	v52 =	vadd.f32 v44, v15  }
0x16b: {  	v57 =	vld [tilespmem:$0x1FE10];
	v37 =	vmul.f32 v3, v45;
	v38 =	vmul.f32 v4, v41;
	v14 =	vadd.f32 v33, v14  }
0x16c: {  	v26 =	vld [tilespmem:$0x1FE00];
	v8 =	vadd.f32 v8, v55;
	v9 =	vadd.f32 v52, v51  }
0x16d: {  	v21 =	vld [tilespmem:$0x1FFA0];
	v18 =	vmul.f32 v5, v22;
	v43 =	vadd.f32 v38, v37  }
0x16e: {  	v14 =	vadd.f32 v14, v19;
	v8 =	vmul.f32 v8, v10;
	v9 =	vmul.f32 v9, v11  }
0x16f: {  	v33 =	vmul.f32 v3, v20;
	v38 =	vmul.f32 v4, v61;
	v6 =	vadd.f32 v6, v7  }
0x170: {  	v49 =	vld [tilespmem:$0x1FEA0];
	v7 =	vadd.f32 v18, v43;
	v43 =	vmul.f32 v13, v14;
	v8 =	vadd.f32 v9, v8  }
0x171: {  	v17 =	vmul.f32 v4, v57;
	v16 =	vmul.f32 v5, v58;
	v51 =	vld [tilespmem:$0x1FEB0];
	v15 =	vadd.f32 v38, v33  }
0x172: {  	v50 =	vld [tilespmem:$0x1FFD0];
	v33 =	vmul.f32 v3, v26;
	v8 =	vadd.f32 v8, v43;
	v43 =	vmul.f32 v4, v21  }
0x173: {  	v14 =	vmul.f32 v3, v56;
	v15 =	vadd.f32 v16, v15;
	v16 =	vmul.f32 v5, v53;
	v53 =	vld [tilespmem:$0x1FEC0]  }
0x174: {  	v25 =	vld [tilespmem:$0x1FFB0]  }
0x175: {  	v62 =	vld [tilespmem:$0x1FFE0];
	v14 =	vadd.f32 v17, v14;
	v17 =	vmul.f32 v5, v0;
	v9 =	vadd.f32 v43, v33  }
0x176: {  	v33 =	vmul.f32 v4, v51;
	v43 =	vmov v0;
	v0 =	vmul.f32 v3, v49  }
0x177: {  	v58 =	vld [tilespmem:$0x1FEF0];
	v37 =	vmov v61;
	v9 =	vadd.f32 v17, v9  }
0x178: {  	v61 =	vmovc v56;
	v56 =	vld [tilespmem:$0x1FEE0];
	v14 =	vadd.f32 v16, v14;
	v17 =	vmul.f32 v5, v53;
	v16 =	vadd.f32 v33, v0  }
0x179: {  	v38 =	vmov v21;
	v21 =	vmul.f32 v3, v50;
	v9 =	vadd.f32 v9, v25  }
0x17a: {  	v33 =	vmovc v25;
	v25 =	vmovc v50;
	v50 =	vmov v62;
	v16 =	vadd.f32 v17, v16;
	v17 =	vmul.f32 v4, v62;
	v62 =	vld [tilespmem:$0x1FF00];
	_ =	sdelay $0x1  }
0x17b: {  	v54 =	vld [tilespmem:$0x1FED0]  }
0x17c: {  	v18 =	vmul.f32 v3, v56;
	v0 =	vmul.f32 v4, v58;
	_ =	sdelay $0x1  }
0x17d: {  	v18 =	vadd.f32 v0, v18;
	v0 =	vmul.f32 v5, v62  }
0x17e: {  	v15 =	vadd.f32 v15, v59  }
0x17f: {  	v16 =	vadd.f32 v16, v54;
	v18 =	vadd.f32 v0, v18  }
0x180: {  	v39 =	vmov v34;
	v34 =	vld [tilespmem:$0x1FE40]  }
0x181: {  	v15 =	vmul.f32 v15, v10;
	v10 =	vmul.f32 v16, v10;
	v16 =	vadd.f32 v18, v63;
	v18 =	vld [tilespmem:$0x1FDA0]  }
0x182: {  	v63 =	vld [tilespmem:$0x1FDB0];
	_ =	sdelay $0x2  }
0x183: {  	v36 =	vld [tilespmem:$0x1FE60];
	v17 =	vadd.f32 v17, v21;
	v21 =	vmul.f32 v5, v34  }
0x184: {  	v44 =	vmov v41;
	v41 =	vld [tilespmem:$0x1FE70]  }
0x185: {  	v17 =	vadd.f32 v21, v17;
	v62 =	vmul.f32 v3, v18;
	v21 =	vmul.f32 v4, v63  }
0x186: {  	v46 =	vmov v45;
	v45 =	vld [tilespmem:$0x1FE80]  }
0x187: {  	v28 =	vmovc v22;
	v22 =	vmovc v20;
	v20 =	vor.u32 $0x3, v2;
	v9 =	vmul.f32 v9, v11;
	v18 =	vadd.f32 v21, v62;
	v62 =	vld [tilespmem:$0x1FF20]  }
0x188: {  	v47 =	vmov v55  }
0x189: {  	v55 =	vmovc v19;
	v19 =	vmul.f32 v4, v41;
	v9 =	vadd.f32 v9, v15;
	v15 =	vmul.f32 v3, v36  }
0x18a: {  	v35 =	vld [tilespmem:$0x1FE50];
	v11 =	vmul.f32 v16, v11  }
0x18b: {  	v48 =	vld [tilespmem:$0x1FE90];
	v15 =	vadd.f32 v19, v15;
	v16 =	vmul.f32 v5, v45;
	v3 =	vmul.f32 v3, v23  }
0x18c: {  	v19 =	vld.idx.msk [tilespmem:v20+s29+$0x0], $0xffff;
	v0 =	vadd.f32 v7, v60;
	v4 =	vmul.f32 v4, v30;
	v63 =	vmul.f32 v5, v62  }
0x18d: {  	v15 =	vadd.f32 v16, v15;
	v10 =	vadd.f32 v11, v10  }
0x18e: {  	v3 =	vadd.f32 v4, v3;
	v5 =	vmul.f32 v5, v32;
	v4 =	vadd.f32 v63, v18  }
0x18f: {  	v16 =	vadd.f32 v17, v35;
	v17 =	vadd.f32 v14, v24  }
0x190: {  	v3 =	vadd.f32 v5, v3;
	v4 =	vadd.f32 v4, v40  }
0x191: {  	v7 =	vmul.f32 v13, v16;
	v5 =	vmul.f32 v19, v0;
	v18 =	vadd.f32 v15, v48  }
0x192: {  	s1 =	sadd.s32 $0x4, s1;
	v11 =	vmul.f32 v19, v17;
	v3 =	vadd.f32 v3, v27;
	v4 =	vmul.f32 v13, v4  }
0x193: {  	p0 =	slt.u32 s1, $0x78;
	v32 =	vadd.f32 v9, v7;
	v5 =	vadd.f32 v6, v5;
	v40 =	vmul.f32 v19, v18  }
.Ltmp0:
0x194: {  	v8 =	vadd.f32 v8, v11;
	v3 =	vmul.f32 v19, v3;
	v4 =	vadd.f32 v10, v4;
	(pc) =	sbr.rel @p0 .LBB2_3-.Ltmp0, $4  }
0x195: {  	[tilespmem:v2+s18+$0x0] =	vst.idx.msk $0xffff, v5;
	v62 =	vadd.f32 v32, v40  }
0x196: {  	[tilespmem:v1+s18+$0x0] =	vst.idx.msk $0xffff, v8;
	v63 =	vadd.f32 v4, v3  }
0x197: {  	s3 =	sadd.s32 $0x40, s3;
	[tilespmem:v12+s18+$0x0] =	vst.idx.msk $0xffff, v62  }
0x198: {  	s16 =	sadd.s32 $0x40, s16;
	s4 =	sadd.s32 $0x40, s4;
	s12 =	sadd.s32 $0x40, s12;
	v52 =	vmov v57;
	v57 =	vmov v26;
	[tilespmem:v20+s18+$0x0] =	vst.idx.msk $0xffff, v63  }
0x199: {  	v3 =	vld [tilespmem:$0xCB80]  }
0x19a: {  	v4 =	vld [tilespmem:$0xD350]  }
0x19b: {  	v5 =	vld [tilespmem:$0xDB20]  }
0x19c: {  	v20 =	vld [tilespmem:$0x1FFF0]  }
0x19d: {  	v0 =	vld [tilespmem:$0x1FC50]  }
0x19e: {  	v19 =	vld [tilespmem:$0x1FC90]  }
0x19f: {  	v32 =	vld [tilespmem:$0x1FCA0]  }
0x1a0: {  	v18 =	vld [tilespmem:$0x1FC60]  }
0x1a1: {  	v63 =	vld [tilespmem:$0x1FCB0]  }
0x1a2: {  	v40 =	vld [tilespmem:$0x1FC70];
	_ =	sdelay $0x1  }
0x1a3: {  	v8 =	vmul.f32 v3, v19;
	v9 =	vmul.f32 v4, v32  }
0x1a4: {  	v6 =	vmul.f32 v3, v0;
	v7 =	vmul.f32 v4, v18;
	v19 =	vld [tilespmem:$0x1FCC0]  }
0x1a5: {  	v15 =	vld [tilespmem:$0x1FCD0];
	v2 =	vor.u32 $0x3E00, v20;
	v1 =	vmul.f32 v5, v63;
	v8 =	vadd.f32 v9, v8  }
0x1a6: {  	v23 =	vor.u32 $0x3E01, v20;
	v62 =	vmul.f32 v5, v40;
	v18 =	vld [tilespmem:$0x1FC80];
	v6 =	vadd.f32 v7, v6  }
0x1a7: {  	v32 =	vld [tilespmem:$0x1FCE0];
	v14 =	vadd.f32 v1, v8  }
0x1a8: {  	v6 =	vadd.f32 v62, v6;
	v62 =	vld [tilespmem:$0x1FCF0]  }
0x1a9: {  	v7 =	vadd.f32 v14, v19;
	v19 =	vld [tilespmem:$0x1FD20]  }
0x1aa: {  	v10 =	vld.idx.msk [tilespmem:v2+s29+$0x0], $0xffff  }
0x1ab: {  	v12 =	vor.u32 $0x3E02, v20;
	v16 =	vmul.f32 v3, v15;
	v11 =	vld.idx.msk [tilespmem:v23+s29+$0x0], $0xffff  }
0x1ac: {  	v17 =	vmul.f32 v4, v42;
	v40 =	vmul.f32 v5, v32;
	v32 =	vld [tilespmem:$0x1FD00]  }
0x1ad: {  	v6 =	vadd.f32 v6, v18;
	v18 =	vld [tilespmem:$0x1FD10]  }
0x1ae: {  	v8 =	vadd.f32 v17, v16;
	v16 =	vmul.f32 v4, v19;
	v19 =	vld [tilespmem:$0x1FD50];
	_ =	sdelay $0x1  }
0x1af: {  	v13 =	vld.idx.msk [tilespmem:v12+s29+$0x0], $0xffff;
	v14 =	vmul.f32 v4, v31;
	v63 =	vmul.f32 v3, v62  }
0x1b0: {  	v62 =	vld [tilespmem:$0x1FD30];
	v6 =	vmul.f32 v6, v10;
	v7 =	vmul.f32 v7, v11  }
0x1b1: {  	v8 =	vadd.f32 v40, v8;
	v40 =	vmul.f32 v5, v32;
	v15 =	vmul.f32 v3, v18  }
0x1b2: {  	v32 =	vld [tilespmem:$0x1FD60];
	v9 =	vadd.f32 v14, v63;
	v63 =	vmul.f32 v3, v29;
	v18 =	vmul.f32 v4, v19  }
0x1b3: {  	v8 =	vadd.f32 v8, v39  }
0x1b4: {  	v6 =	vadd.f32 v7, v6;
	v14 =	vadd.f32 v18, v63;
	v18 =	vld [tilespmem:$0x1FD40]  }
0x1b5: {  	v7 =	vmul.f32 v13, v8;
	v15 =	vadd.f32 v16, v15;
	v17 =	vmul.f32 v5, v62  }
0x1b6: {  	v8 =	vadd.f32 v40, v9;
	v62 =	vmul.f32 v3, v46;
	v63 =	vmul.f32 v4, v44  }
0x1b7: {  	v40 =	vmul.f32 v5, v32;
	v9 =	vadd.f32 v17, v15  }
0x1b8: {  	v8 =	vadd.f32 v8, v47;
	v32 =	vmul.f32 v5, v28;
	v19 =	vadd.f32 v63, v62  }
0x1b9: {  	v14 =	vadd.f32 v40, v14;
	v9 =	vadd.f32 v9, v18  }
0x1ba: {  	v49 =	vmul.f32 v3, v49;
	v6 =	vadd.f32 v6, v7;
	v7 =	vadd.f32 v32, v19;
	v32 =	vld [tilespmem:$0x1FD80]  }
0x1bb: {  	v8 =	vmul.f32 v8, v10;
	v14 =	vadd.f32 v14, v55;
	v19 =	vld [tilespmem:$0x1FD70];
	v9 =	vmul.f32 v9, v11  }
0x1bc: {  	v40 =	vmul.f32 v3, v22;
	v62 =	vmul.f32 v4, v37  }
0x1bd: {  	v17 =	vmul.f32 v4, v52;
	v63 =	vmul.f32 v13, v14;
	v8 =	vadd.f32 v9, v8  }
0x1be: {  	v15 =	vadd.f32 v62, v40;
	v62 =	vmul.f32 v3, v57;
	v14 =	vmul.f32 v3, v61  }
0x1bf: {  	v40 =	vmul.f32 v5, v32;
	v8 =	vadd.f32 v8, v63;
	v63 =	vmul.f32 v4, v38  }
0x1c0: {  	v32 =	vmul.f32 v5, v19;
	v19 =	vmul.f32 v4, v51  }
0x1c1: {  	v15 =	vadd.f32 v40, v15;
	v40 =	vmul.f32 v5, v43;
	v9 =	vadd.f32 v63, v62  }
0x1c2: {  	v14 =	vadd.f32 v17, v14  }
0x1c3: {  	v62 =	vadd.f32 v19, v49;
	v63 =	vmul.f32 v5, v53;
	v9 =	vadd.f32 v40, v9;
	v40 =	vld [tilespmem:$0x1FF00]  }
0x1c4: {  	v21 =	vmul.f32 v3, v25;
	v1 =	vmul.f32 v4, v58;
	v58 =	vld [tilespmem:$0x1FDA0]  }
0x1c5: {  	v14 =	vadd.f32 v32, v14;
	v32 =	vmul.f32 v4, v50;
	v16 =	vadd.f32 v63, v62;
	v63 =	vld [tilespmem:$0x1FDB0]  }
0x1c6: {  	v0 =	vmul.f32 v3, v56  }
0x1c7: {  	v17 =	vadd.f32 v32, v21;
	v21 =	vmul.f32 v5, v34;
	v16 =	vadd.f32 v16, v54;
	v54 =	vld [tilespmem:$0x1FD90]  }
0x1c8: {  	v18 =	vadd.f32 v1, v0;
	v49 =	vmul.f32 v5, v40  }
0x1c9: {  	v17 =	vadd.f32 v21, v17  }
0x1ca: {  	v0 =	vld [tilespmem:$0x1FDC0];
	v62 =	vmul.f32 v3, v58;
	v21 =	vmul.f32 v4, v63;
	v18 =	vadd.f32 v49, v18  }
0x1cb: {  	v15 =	vadd.f32 v15, v59;
	v19 =	vld [tilespmem:$0x1FDD0];
	v9 =	vadd.f32 v9, v33  }
0x1cc: {  	v20 =	vor.u32 $0x3E03, v20;
	v56 =	vadd.f32 v18, v54;
	v18 =	vadd.f32 v21, v62;
	v21 =	vld [tilespmem:$0x1FF20]  }
0x1cd: {  	v51 =	vmul.f32 v3, v36;
	v53 =	vmul.f32 v4, v41  }
0x1ce: {  	v15 =	vmul.f32 v15, v10;
	v9 =	vmul.f32 v9, v11;
	v40 =	vld [tilespmem:$0x1FF40]  }
0x1cf: {  	v32 =	vmul.f32 v5, v45  }
0x1d0: {  	v3 =	vmul.f32 v3, v0;
	v1 =	vadd.f32 v9, v15;
	v15 =	vadd.f32 v53, v51;
	v51 =	vld [tilespmem:$0x1FF10]  }
0x1d1: {  	v34 =	vld.idx.msk [tilespmem:v20+s29+$0x0], $0xffff;
	v4 =	vmul.f32 v4, v19;
	v36 =	vmul.f32 v5, v21  }
0x1d2: {  	v41 =	vadd.f32 v7, v60;
	v45 =	vadd.f32 v17, v35;
	v10 =	vmul.f32 v16, v10;
	v54 =	vld [tilespmem:$0x1FF30]  }
0x1d3: {  	v3 =	vadd.f32 v4, v3;
	v5 =	vmul.f32 v5, v40;
	v4 =	vadd.f32 v36, v18  }
0x1d4: {  	v49 =	vadd.f32 v14, v24;
	v15 =	vadd.f32 v32, v15;
	v11 =	vmul.f32 v56, v11  }
0x1d5: {  	v7 =	vmul.f32 v13, v45;
	v3 =	vadd.f32 v5, v3;
	v4 =	vadd.f32 v4, v51  }
0x1d6: {  	v53 =	vadd.f32 v15, v48;
	v10 =	vadd.f32 v11, v10;
	v5 =	vmul.f32 v34, v41  }
0x1d7: {  	v11 =	vmul.f32 v34, v49;
	v3 =	vadd.f32 v3, v54;
	v4 =	vmul.f32 v13, v4  }
0x1d8: {  	v56 =	vadd.f32 v1, v7;
	v58 =	vmul.f32 v34, v53;
	v5 =	vadd.f32 v6, v5  }
0x1d9: {  	v8 =	vadd.f32 v8, v11;
	v3 =	vmul.f32 v34, v3;
	v4 =	vadd.f32 v10, v4  }
0x1da: {  	v62 =	vadd.f32 v56, v58;
	[tilespmem:v2+s18+$0x0] =	vst.idx.msk $0xffff, v5  }
0x1db: {  	s0 =	sadd.s32 $0x1, s0;
	[tilespmem:v23+s18+$0x0] =	vst.idx.msk $0xffff, v8;
	v63 =	vadd.f32 v4, v3  }
0x1dc: {  	p0 =	sne.s32 s0, $0x64;
	[tilespmem:v12+s18+$0x0] =	vst.idx.msk $0xffff, v62  }
.Ltmp1:
0x1dd: {  	[tilespmem:v20+s18+$0x0] =	vst.idx.msk $0xffff, v63;
	(pc) =	sbr.rel @p0 .LBB2_2-.Ltmp1, $4  }
0x1de: {  	[spmem:s2] =	stream.indirect.scatter.add.f32 [tilespmem:s18], [sflag:$0x3], $0x8, s22, s28, $0xb8;
	[tilespmem:$0x167D0] =	vst v63  }
0x1df: {  	_ =	swait.ge [sflag:s17], $0x3E80  }
0x1e0: {  	[sflag:s17] =	ssyncset.done $0x0  }
0x1e1: {  	[sflag:s17] =	ssyncadd.s32 $0xFFFFC180  }
0x1e2: {  	s31 =	sadd.s32 $0x1, s31  }
0x1e3: {  	[bflag:$0x0] =	sbarrier.arrive $0xFFFF;
	p0 =	sne.s32 s31, s15  }
.Ltmp2:
0x1e4: {  	s0 =	rddreg [dreg:$0x5];
	(pc) =	sbr.rel @p0 .LBB2_1-.Ltmp2, $4  }
0x1e5: {  	[hbm:s0], [sflag:s19] =	dma.local [spmem:s20], $0x1870  }
0x1e6: {  	_ =	swait.ge [sflag:s17], $0x1870  }
0x1e7: {  	[sflag:s17] =	ssyncset.done $0x0  }
0x1e8: {  	[sflag:s17] =	ssyncadd.s32 $0xFFFFE790  }
0x1e9: {  	_ =	sfence.sel $0x180000  }
0x1ea: {  	[bflag:$0x0] =	sbarrier.arrive $0xFFFF  }
0x1eb: {  	_ =	strace $0x90000047  }
0x1ec: {  	s0 =	stileid.u32;
	[bflag:$0x2] =	sbarrier.arrive $0xFFFF  }
0x1ed: {  	p0 =	sne.s32 s0, $0x0;
	s0 =	rddreg [dreg:$0x3]  }
0x1ee: {  	s0 =	sadd.s32 @!p0 $0x100000, s0  }
0x1ef: {  	[sflag:s0] =	ssyncadd.tile.s32 @!p0 $0x1;
	_ =	shalt  }
.Lfunc_end2:
_tile_overlayer_lowered:
.L_overlay_start_2:
0x1f0: {  	(tag) =	ssettag $0x2  }
0x1f1: {  	s0 =	rddreg [dreg:$0x0];
	s2 =	stileid.u32  }
0x1f2: {  	s1 =	rddreg [dreg:$0x1];
	p0 =	sne.s32 s2, $0x0  }
0x1f3: {  	s3 =	rddreg [dreg:$0x2];
	[bflag:$0x3] =	sbarrier.arrive $0xFFFF;
	s2 =	simm.s32 @!p0 $0x1C03  }
0x1f4: {  	[timem:s3], [sflag:s2] =	dma.local @!p0 [hbm:s0], s1  }
0x1f5: {  	s0 =	simm.s32 @!p0 $0x3  }
0x1f6: {  	_ =	swait.ge @!p0 [sflag:s0], s1  }
0x1f7: {  	s1 =	ssub.s32 @!p0 $0x0, s1;
	[sflag:s0] =	ssyncset.done @!p0 $0x0  }
0x1f8: {  	[sflag:s0] =	ssyncadd.s32 @!p0 s1  }
0x1f9: {  	[bflag:$0x3] =	sbarrier.arrive $0xFFFF  }
0x1fa: {  	_ =	shalt  }

</sc_bundles>
